<compile_context>
chip_gen: v7x
topology: tpu7x:2x2x1
jax: 0.10.2.dev20260603
libtpu: 0.0.44.dev20260713+nightly
codegen_flags: <defaults>
</compile_context>

<pallas_src>
import functools

import jax
import jax.numpy as jnp
from jax import lax
from jax.experimental import pallas as pl
from jax.experimental.pallas import tpu as pltpu
from jax.experimental.pallas import tpu_sc as plsc

N = 10000
E = 320000
D = 128

NC = 2
NS = 16
NW = NC * NS

C = 80
EW = E // NW
NCH = EW // C

RPB = C
NB = N // RPB
KMAX = -(-NB // NS)


@functools.partial(
    pl.kernel,
    out_type=jax.ShapeDtypeStruct((NC, N, D), jnp.float32),
    mesh=plsc.VectorSubcoreMesh(
        core_axis_name="c", subcore_axis_name="s",
        num_cores=NC, num_subcores=NS),
    scratch_types=[
        pltpu.VMEM((EW,), jnp.int32),
        pltpu.VMEM((EW,), jnp.int32),
        pltpu.VMEM((C, D), jnp.float32),
        pltpu.VMEM((C, D), jnp.float32),
        pltpu.VMEM((C, D), jnp.float32),
        pltpu.VMEM_SHARED((N, D), jnp.float32),
        pltpu.SemaphoreType.DMA,
        pltpu.SemaphoreType.DMA,
        pltpu.SemaphoreType.DMA,
        pltpu.SemaphoreType.DMA,
    ],
)
def _sc_aggregate(x_hbm, src_hbm, dst_hbm, out_hbm,
                  sall, dall, rows, rows_b, rows_c, agg,
                  sem, sem_b, sem_c, sem_k):
    cid = lax.axis_index("c")
    sid = lax.axis_index("s")
    wid = cid * NS + sid

    pltpu.sync_copy(src_hbm.at[pl.ds(wid * EW, EW)], sall)
    pltpu.sync_copy(dst_hbm.at[pl.ds(wid * EW, EW)], dall)

    def zrow(i, _):
        def zlane(j, _):
            rows[i, pl.ds(j * 16, 16)] = jnp.zeros((16,), jnp.float32)
            return 0
        return lax.fori_loop(0, D // 16, zlane, 0)
    lax.fori_loop(0, C, zrow, 0)

    def zcp(k, _):
        cb = sid + k * NS
        @pl.when(cb < NB)
        def _():
            pltpu.async_copy(rows, agg.at[pl.ds(cb * RPB, RPB)], sem_k)
        return 0
    lax.fori_loop(0, KMAX, zcp, 0)

    def zdr(k, _):
        cb = sid + k * NS
        @pl.when(cb < NB)
        def _():
            pltpu.make_async_copy(
                rows, agg.at[pl.ds(cb * RPB, RPB)], sem_k).wait()
        return 0
    lax.fori_loop(0, KMAX, zdr, 0)
    plsc.subcore_barrier()

    pltpu.async_copy(x_hbm.at[sall.at[pl.ds(0 * C, C)]], rows, sem)
    pltpu.async_copy(x_hbm.at[sall.at[pl.ds(1 * C, C)]], rows_b, sem_b)
    pltpu.async_copy(x_hbm.at[sall.at[pl.ds(2 * C, C)]], rows_c, sem_c)

    def chunk_triple(i, _):
        j = 3 * i
        for (buf, sm, o) in ((rows, sem, 0), (rows_b, sem_b, 1),
                             (rows_c, sem_c, 2)):
            pltpu.make_async_copy(
                x_hbm.at[sall.at[pl.ds((j + o) * C, C)]], buf, sm).wait()
            pltpu.sync_copy(
                buf, agg.at[dall.at[pl.ds((j + o) * C, C)]], add=True)

            @pl.when(j + o + 3 < NCH)
            def _():
                pltpu.async_copy(
                    x_hbm.at[sall.at[pl.ds((j + o + 3) * C, C)]], buf, sm)
        return 0
    lax.fori_loop(0, NCH // 3, chunk_triple, 0)

    for (buf, sm, jj) in ((rows, sem, NCH - 2), (rows_b, sem_b, NCH - 1)):
        pltpu.make_async_copy(
            x_hbm.at[sall.at[pl.ds(jj * C, C)]], buf, sm).wait()
        pltpu.sync_copy(buf, agg.at[dall.at[pl.ds(jj * C, C)]], add=True)
    plsc.subcore_barrier()

    def ocp(k, _):
        cb = sid + k * NS
        @pl.when(cb < NB)
        def _():
            r0 = cb * RPB
            pltpu.async_copy(agg.at[pl.ds(r0, RPB)],
                             out_hbm.at[cid, pl.ds(r0, RPB)], sem_k)
        return 0
    lax.fori_loop(0, KMAX, ocp, 0)

    def odr(k, _):
        cb = sid + k * NS
        @pl.when(cb < NB)
        def _():
            r0 = cb * RPB
            pltpu.make_async_copy(agg.at[pl.ds(r0, RPB)],
                                  out_hbm.at[cid, pl.ds(r0, RPB)],
                                  sem_k).wait()
        return 0
    lax.fori_loop(0, KMAX, odr, 0)


BR = 2000


def _tc_update_body(x_ref, p_ref, w_ref, b_ref, o_ref):
    h = x_ref[...] + p_ref[0] + p_ref[1]
    acc = jnp.dot(h, w_ref[...], preferred_element_type=jnp.float32)
    o_ref[...] = jnp.maximum(acc + b_ref[...], 0.0)


def _tc_update(x, parts, W, b2):
    return pl.pallas_call(
        _tc_update_body,
        grid=(N // BR,),
        in_specs=[
            pl.BlockSpec((BR, D), lambda i: (i, 0)),
            pl.BlockSpec((NC, BR, D), lambda i: (0, i, 0)),
            pl.BlockSpec((D, D), lambda i: (0, 0)),
            pl.BlockSpec((1, D), lambda i: (0, 0)),
        ],
        out_specs=pl.BlockSpec((BR, D), lambda i: (i, 0)),
        out_shape=jax.ShapeDtypeStruct((N, D), jnp.float32),
    )(x, parts, W, b2)


def kernel(x, edge_index, W, b):
    ei = edge_index.astype(jnp.int32)
    parts = _sc_aggregate(x, ei[0], ei[1])
    return _tc_update(x, parts, W, b.reshape(1, D))

# --- scband reference (transcript-rebuilt; emitter-appended) ---
"""Pipeline reference for scband-graph-neural-network-39548058862311 (READ-ONLY COPY).

The authoritative reference and input builder live on the scoring server;
editing this copy changes nothing except your own understanding.
"""

import jax, jax.numpy as jnp
import numpy as np

N_NODES = 10000
N_EDGES = 320000
D_FEAT = 128


def setup_inputs(seed: int = 0) -> dict:
    key = jax.random.key(seed)
    k1, k2, k3, k4 = jax.random.split(key, 4)
    x = jax.random.normal(k1, (N_NODES, D_FEAT), dtype=jnp.float32)
    edge_index = jax.random.randint(k2, (2, N_EDGES), 0, N_NODES)
    W = jax.random.normal(k3, (D_FEAT, D_FEAT), dtype=jnp.float32) * 0.05
    b = jnp.zeros((D_FEAT,), dtype=jnp.float32)
    return {"x": x, "edge_index": edge_index, "W": W, "b": b}


def reference(x, edge_index, W, b):
    # One message-passing interaction layer (GraphNeuralNetwork / MessagePassingLayer):
    # 1) update_edges: messages are gathered sender-node embeddings
    # 2) aggregate_edges_for_nodes: scatter-add (sum aggregation) onto receiver nodes
    # 3) update_nodes: residual combine + linear + nonlinearity
    src = edge_index[0]
    dst = edge_index[1]
    msg = jnp.take(x, src, axis=0)                      # gather  [E, D]
    agg = jax.ops.segment_sum(msg, dst, num_segments=x.shape[0])  # scatter-add [N, D]
    out = jax.nn.relu((x + agg) @ W + b)                # node update [N, D]
    return out

if __name__ == "__main__":
    import jax
    _d = setup_inputs()
    print(jax.jit(kernel)(*tuple(_d.values())))

</pallas_src>

<mosaic_0001>
#map = affine_map<(d0, d1) -> (0, 0)>
#map1 = affine_map<(d0, d1) -> (0)>
#map2 = affine_map<(d0, d1) -> (0, 0, 0)>
module attributes {stable_mosaic.version = 14 : i64} {
  func.func @_sc_aggregate(%arg0: i32, %arg1: i32, %arg2: memref<10000x128xf32, #tpu.memory_space<hbm>>, %arg3: memref<320000xi32, #tpu.memory_space<hbm>>, %arg4: memref<320000xi32, #tpu.memory_space<hbm>>, %arg5: memref<2x10000x128xf32, #tpu.memory_space<hbm>>, %arg6: memref<10000xi32, #tpu.memory_space<vmem>>, %arg7: memref<10000xi32, #tpu.memory_space<vmem>>, %arg8: memref<80x128xf32, #tpu.memory_space<vmem>>, %arg9: memref<80x128xf32, #tpu.memory_space<vmem>>, %arg10: memref<80x128xf32, #tpu.memory_space<vmem>>, %arg11: memref<10000x128xf32, #tpu.memory_space<vmem_shared>>, %arg12: memref<!tpu.dma_semaphore, #tpu.memory_space<semaphore_mem>>, %arg13: memref<!tpu.dma_semaphore, #tpu.memory_space<semaphore_mem>>, %arg14: memref<!tpu.dma_semaphore, #tpu.memory_space<semaphore_mem>>, %arg15: memref<!tpu.dma_semaphore, #tpu.memory_space<semaphore_mem>>) attributes {dimension_semantics = [#tpu.dimension_semantics<core_parallel>, #tpu.dimension_semantics<subcore_parallel>], iteration_bounds = array<i64: 2, 16>, scalar_prefetch = 0 : i64, scratch_operands = 10 : i64, tpu.core_type = #tpu.core_type<sc_vector_subcore>, window_params = [{transform_indices = #map}, {transform_indices = #map1}, {transform_indices = #map1}, {transform_indices = #map2}]} {
    %mul3A = arith.constant 16 : i32
    %mul3A_0 = arith.muli %arg0, %mul3A : i32
    %add3A = arith.addi %mul3A_0, %arg1 : i32
    %mul3A_1 = arith.constant 10000 : i32
    %mul3A_2 = arith.muli %add3A, %mul3A_1 : i32
    "tpu.region"() ({
      %run_scoped3A = tpu.sem_alloc : memref<!tpu.dma_semaphore, #tpu.memory_space<semaphore_mem>>
      %dma_start3A_70 = tpu.memref_slice %arg3[%mul3A_2] : memref<320000xi32, #tpu.memory_space<hbm>> -> memref<10000xi32, #tpu.memory_space<hbm>>
      %dma_start3A_71 = tpu.memref_slice %arg3[%mul3A_2] : memref<320000xi32, #tpu.memory_space<hbm>> -> memref<10000xi32, #tpu.memory_space<hbm>>
      tpu.enqueue_dma source(%dma_start3A_71 : memref<10000xi32, #tpu.memory_space<hbm>>) target(%arg6 : memref<10000xi32, #tpu.memory_space<vmem>>) target_semaphore(%run_scoped3A : memref<!tpu.dma_semaphore, #tpu.memory_space<semaphore_mem>>)
      %dma_wait3A_72 = tpu.memref_slice %arg3[%mul3A_2] : memref<320000xi32, #tpu.memory_space<hbm>> -> memref<10000xi32, #tpu.memory_space<hbm>>
      %dma_wait3A_73 = tpu.memref_slice %arg3[%mul3A_2] : memref<320000xi32, #tpu.memory_space<hbm>> -> memref<10000xi32, #tpu.memory_space<hbm>>
      tpu.wait_dma2 semaphore(%run_scoped3A : memref<!tpu.dma_semaphore, #tpu.memory_space<semaphore_mem>>) src(%dma_wait3A_73 : memref<10000xi32, #tpu.memory_space<hbm>>) dst(%arg6 : memref<10000xi32, #tpu.memory_space<vmem>>)
      tpu.yield
    }) : () -> ()
    %mul3A_3 = arith.constant 10000 : i32
    %mul3A_4 = arith.muli %add3A, %mul3A_3 : i32
    "tpu.region"() ({
      %run_scoped3A = tpu.sem_alloc : memref<!tpu.dma_semaphore, #tpu.memory_space<semaphore_mem>>
      %dma_start3A_70 = tpu.memref_slice %arg4[%mul3A_4] : memref<320000xi32, #tpu.memory_space<hbm>> -> memref<10000xi32, #tpu.memory_space<hbm>>
      %dma_start3A_71 = tpu.memref_slice %arg4[%mul3A_4] : memref<320000xi32, #tpu.memory_space<hbm>> -> memref<10000xi32, #tpu.memory_space<hbm>>
      tpu.enqueue_dma source(%dma_start3A_71 : memref<10000xi32, #tpu.memory_space<hbm>>) target(%arg7 : memref<10000xi32, #tpu.memory_space<vmem>>) target_semaphore(%run_scoped3A : memref<!tpu.dma_semaphore, #tpu.memory_space<semaphore_mem>>)
      %dma_wait3A_72 = tpu.memref_slice %arg4[%mul3A_4] : memref<320000xi32, #tpu.memory_space<hbm>> -> memref<10000xi32, #tpu.memory_space<hbm>>
      %dma_wait3A_73 = tpu.memref_slice %arg4[%mul3A_4] : memref<320000xi32, #tpu.memory_space<hbm>> -> memref<10000xi32, #tpu.memory_space<hbm>>
      tpu.wait_dma2 semaphore(%run_scoped3A : memref<!tpu.dma_semaphore, #tpu.memory_space<semaphore_mem>>) src(%dma_wait3A_73 : memref<10000xi32, #tpu.memory_space<hbm>>) dst(%arg7 : memref<10000xi32, #tpu.memory_space<vmem>>)
      tpu.yield
    }) : () -> ()
    %scan3A = arith.constant 0 : i32
    %scan3A_5 = arith.constant 0 : i32
    %scan3A_6 = arith.constant 80 : i32
    %scan3A_7 = arith.addi %scan3A_5, %scan3A_6 : i32
    %scan3A_8 = arith.constant 1 : i32
    %scan3A_9 = scf.for %scan3A_70 = %scan3A_5 to %scan3A_7 step %scan3A_8 iter_args(%scan3A_71 = %scan3A) -> (i32)  : i32 {
      %scan3A_72 = arith.constant 0 : i32
      %scan3A_73 = arith.constant 0 : i32
      %scan3A_74 = arith.constant 8 : i32
      %scan3A_75 = arith.addi %scan3A_73, %scan3A_74 : i32
      %scan3A_76 = arith.constant 1 : i32
      %scan3A_77 = scf.for %scan3A_79 = %scan3A_73 to %scan3A_75 step %scan3A_76 iter_args(%scan3A_80 = %scan3A_72) -> (i32)  : i32 {
        %broadcast_in_dim3A = arith.constant 0.000000e+00 : f32
        %broadcast_in_dim3A_81 = vector.broadcast %broadcast_in_dim3A : f32 to vector<16xf32>
        %mul3A_82 = arith.constant 16 : i32
        %mul3A_83 = arith.muli %scan3A_79, %mul3A_82 : i32
        %swap3A = arith.index_cast %scan3A_70 : i32 to index
        %swap3A_84 = arith.index_cast %mul3A_83 : i32 to index
        %swap3A_85 = tpu.vector_load %arg8[%swap3A, %swap3A_84] {strides = array<i32>} : memref<80x128xf32, #tpu.memory_space<vmem>>, vector<1x16xf32>,
        %swap3A_86 = vector.shape_cast %swap3A_85 : vector<1x16xf32> to vector<16xf32>
        %swap3A_87 = vector.shape_cast %broadcast_in_dim3A_81 : vector<16xf32> to vector<1x16xf32>
        tpu.vector_store %arg8[%swap3A, %swap3A_84], %swap3A_87 {strides = array<i32>} : memref<80x128xf32, #tpu.memory_space<vmem>>, vector<1x16xf32>,
        %scan3A_88 = arith.constant 0 : i32
        scf.yield %scan3A_88 : i32
      }
      %scan3A_78 = arith.constant 8 : i32
      scf.yield %scan3A_77 : i32
    }
    %scan3A_10 = arith.constant 80 : i32
    %scan3A_11 = arith.constant 0 : i32
    %scan3A_12 = arith.constant 0 : i32
    %scan3A_13 = arith.constant 8 : i32
    %scan3A_14 = arith.addi %scan3A_12, %scan3A_13 : i32
    %scan3A_15 = arith.constant 1 : i32
    %scan3A_16 = scf.for %scan3A_70 = %scan3A_12 to %scan3A_14 step %scan3A_15 iter_args(%scan3A_71 = %scan3A_11) -> (i32)  : i32 {
      %mul3A_72 = arith.constant 16 : i32
      %mul3A_73 = arith.muli %scan3A_70, %mul3A_72 : i32
      %add3A_74 = arith.addi %arg1, %mul3A_73 : i32
      %lt3A = arith.constant 125 : i32
      %lt3A_75 = arith.cmpi slt, %add3A_74, %lt3A : i32
      %convert_element_type3A = arith.extui %lt3A_75 : i1 to i32
      %cond3A = arith.constant 0 : i32
      %cond3A_76 = arith.cmpi ne, %convert_element_type3A, %cond3A : i32
      scf.if %cond3A_76 {
        %mul3A_78 = arith.constant 80 : i32
        %mul3A_79 = arith.muli %add3A_74, %mul3A_78 : i32
        %dma_start3A_80 = arith.constant 0 : i32
        %dma_start3A_81 = tpu.memref_slice %arg11[%mul3A_79, %dma_start3A_80] : memref<10000x128xf32, #tpu.memory_space<vmem_shared>> -> memref<80x128xf32, #tpu.memory_space<vmem_shared>>
        %dma_start3A_82 = arith.constant 0 : i32
        %dma_start3A_83 = tpu.memref_slice %arg11[%mul3A_79, %dma_start3A_82] : memref<10000x128xf32, #tpu.memory_space<vmem_shared>> -> memref<80x128xf32, #tpu.memory_space<vmem_shared>>
        tpu.enqueue_dma source(%arg8 : memref<80x128xf32, #tpu.memory_space<vmem>>) target(%dma_start3A_83 : memref<80x128xf32, #tpu.memory_space<vmem_shared>>) target_semaphore(%arg15 : memref<!tpu.dma_semaphore, #tpu.memory_space<semaphore_mem>>)
      } else {
      }
      %scan3A_77 = arith.constant 0 : i32
      scf.yield %scan3A_77 : i32
    }
    %scan3A_17 = arith.constant 8 : i32
    %scan3A_18 = arith.constant 0 : i32
    %scan3A_19 = arith.constant 0 : i32
    %scan3A_20 = arith.constant 8 : i32
    %scan3A_21 = arith.addi %scan3A_19, %scan3A_20 : i32
    %scan3A_22 = arith.constant 1 : i32
    %scan3A_23 = scf.for %scan3A_70 = %scan3A_19 to %scan3A_21 step %scan3A_22 iter_args(%scan3A_71 = %scan3A_18) -> (i32)  : i32 {
      %mul3A_72 = arith.constant 16 : i32
      %mul3A_73 = arith.muli %scan3A_70, %mul3A_72 : i32
      %add3A_74 = arith.addi %arg1, %mul3A_73 : i32
      %lt3A = arith.constant 125 : i32
      %lt3A_75 = arith.cmpi slt, %add3A_74, %lt3A : i32
      %convert_element_type3A = arith.extui %lt3A_75 : i1 to i32
      %cond3A = arith.constant 0 : i32
      %cond3A_76 = arith.cmpi ne, %convert_element_type3A, %cond3A : i32
      scf.if %cond3A_76 {
        %mul3A_78 = arith.constant 80 : i32
        %mul3A_79 = arith.muli %add3A_74, %mul3A_78 : i32
        %dma_wait3A_80 = arith.constant 0 : i32
        %dma_wait3A_81 = tpu.memref_slice %arg11[%mul3A_79, %dma_wait3A_80] : memref<10000x128xf32, #tpu.memory_space<vmem_shared>> -> memref<80x128xf32, #tpu.memory_space<vmem_shared>>
        %dma_wait3A_82 = arith.constant 0 : i32
        %dma_wait3A_83 = tpu.memref_slice %arg11[%mul3A_79, %dma_wait3A_82] : memref<10000x128xf32, #tpu.memory_space<vmem_shared>> -> memref<80x128xf32, #tpu.memory_space<vmem_shared>>
        tpu.wait_dma2 semaphore(%arg15 : memref<!tpu.dma_semaphore, #tpu.memory_space<semaphore_mem>>) src(%arg8 : memref<80x128xf32, #tpu.memory_space<vmem>>) dst(%dma_wait3A_83 : memref<80x128xf32, #tpu.memory_space<vmem_shared>>)
      } else {
      }
      %scan3A_77 = arith.constant 0 : i32
      scf.yield %scan3A_77 : i32
    }
    %scan3A_24 = arith.constant 8 : i32
    %barrier3A = arith.constant 0 : index
    tpu.barrier barrier_id(%barrier3A)
    %dma_start3A = arith.constant 0 : i32
    %dma_start3A_25 = tpu.memref_slice %arg6[%dma_start3A] : memref<10000xi32, #tpu.memory_space<vmem>> -> memref<80xi32, #tpu.memory_space<vmem>>
    %dma_start3A_26 = arith.constant 0 : i32
    %dma_start3A_27 = arith.constant 0 : i32
    %dma_start3A_28 = tpu.memref_slice %arg2[%dma_start3A_26, %dma_start3A_27] : memref<10000x128xf32, #tpu.memory_space<hbm>> -> memref<10000x128xf32, #tpu.memory_space<hbm>>
    tpu.enqueue_indirect_dma source(%dma_start3A_28 : memref<10000x128xf32, #tpu.memory_space<hbm>>) target(%arg8 : memref<80x128xf32, #tpu.memory_space<vmem>>) offsets(%dma_start3A_25 : memref<80xi32, #tpu.memory_space<vmem>>) semaphore(%arg12 : memref<!tpu.dma_semaphore, #tpu.memory_space<semaphore_mem>>)
    %dma_start3A_29 = arith.constant 80 : i32
    %dma_start3A_30 = tpu.memref_slice %arg6[%dma_start3A_29] : memref<10000xi32, #tpu.memory_space<vmem>> -> memref<80xi32, #tpu.memory_space<vmem>>
    %dma_start3A_31 = arith.constant 0 : i32
    %dma_start3A_32 = arith.constant 0 : i32
    %dma_start3A_33 = tpu.memref_slice %arg2[%dma_start3A_31, %dma_start3A_32] : memref<10000x128xf32, #tpu.memory_space<hbm>> -> memref<10000x128xf32, #tpu.memory_space<hbm>>
    tpu.enqueue_indirect_dma source(%dma_start3A_33 : memref<10000x128xf32, #tpu.memory_space<hbm>>) target(%arg9 : memref<80x128xf32, #tpu.memory_space<vmem>>) offsets(%dma_start3A_30 : memref<80xi32, #tpu.memory_space<vmem>>) semaphore(%arg13 : memref<!tpu.dma_semaphore, #tpu.memory_space<semaphore_mem>>)
    %dma_start3A_34 = arith.constant 160 : i32
    %dma_start3A_35 = tpu.memref_slice %arg6[%dma_start3A_34] : memref<10000xi32, #tpu.memory_space<vmem>> -> memref<80xi32, #tpu.memory_space<vmem>>
    %dma_start3A_36 = arith.constant 0 : i32
    %dma_start3A_37 = arith.constant 0 : i32
    %dma_start3A_38 = tpu.memref_slice %arg2[%dma_start3A_36, %dma_start3A_37] : memref<10000x128xf32, #tpu.memory_space<hbm>> -> memref<10000x128xf32, #tpu.memory_space<hbm>>
    tpu.enqueue_indirect_dma source(%dma_start3A_38 : memref<10000x128xf32, #tpu.memory_space<hbm>>) target(%arg10 : memref<80x128xf32, #tpu.memory_space<vmem>>) offsets(%dma_start3A_35 : memref<80xi32, #tpu.memory_space<vmem>>) semaphore(%arg14 : memref<!tpu.dma_semaphore, #tpu.memory_space<semaphore_mem>>)
    %scan3A_39 = arith.constant 0 : i32
    %scan3A_40 = arith.constant 0 : i32
    %scan3A_41 = arith.constant 41 : i32
    %scan3A_42 = arith.addi %scan3A_40, %scan3A_41 : i32
    %scan3A_43 = arith.constant 1 : i32
    %scan3A_44 = scf.for %scan3A_70 = %scan3A_40 to %scan3A_42 step %scan3A_43 iter_args(%scan3A_71 = %scan3A_39) -> (i32)  : i32 {
      %mul3A_72 = arith.constant 3 : i32
      %mul3A_73 = arith.muli %mul3A_72, %scan3A_70 : i32
      %add3A_74 = arith.constant 0 : i32
      %add3A_75 = arith.addi %mul3A_73, %add3A_74 : i32
      %mul3A_76 = arith.constant 80 : i32
      %mul3A_77 = arith.muli %add3A_75, %mul3A_76 : i32
      %dma_wait3A_78 = tpu.memref_slice %arg6[%mul3A_77] : memref<10000xi32, #tpu.memory_space<vmem>> -> memref<80xi32, #tpu.memory_space<vmem>>
      %dma_wait3A_79 = arith.constant 0 : i32
      %dma_wait3A_80 = arith.constant 0 : i32
      %dma_wait3A_81 = tpu.memref_slice %arg2[%dma_wait3A_79, %dma_wait3A_80] : memref<10000x128xf32, #tpu.memory_space<hbm>> -> memref<10000x128xf32, #tpu.memory_space<hbm>>
      tpu.wait_indirect_dma semaphore(%arg12 : memref<!tpu.dma_semaphore, #tpu.memory_space<semaphore_mem>>) src(%dma_wait3A_81 : memref<10000x128xf32, #tpu.memory_space<hbm>>) dst(%arg8 : memref<80x128xf32, #tpu.memory_space<vmem>>)
      %add3A_82 = arith.constant 0 : i32
      %add3A_83 = arith.addi %mul3A_73, %add3A_82 : i32
      %mul3A_84 = arith.constant 80 : i32
      %mul3A_85 = arith.muli %add3A_83, %mul3A_84 : i32
      "tpu.region"() ({
        %run_scoped3A = tpu.sem_alloc : memref<!tpu.dma_semaphore, #tpu.memory_space<semaphore_mem>>
        %dma_start3A_135 = tpu.memref_slice %arg7[%mul3A_85] : memref<10000xi32, #tpu.memory_space<vmem>> -> memref<80xi32, #tpu.memory_space<vmem>>
        %dma_start3A_136 = arith.constant 0 : i32
        %dma_start3A_137 = arith.constant 0 : i32
        %dma_start3A_138 = tpu.memref_slice %arg11[%dma_start3A_136, %dma_start3A_137] : memref<10000x128xf32, #tpu.memory_space<vmem_shared>> -> memref<10000x128xf32, #tpu.memory_space<vmem_shared>>
        tpu.enqueue_indirect_dma source(%arg8 : memref<80x128xf32, #tpu.memory_space<vmem>>) target(%dma_start3A_138 : memref<10000x128xf32, #tpu.memory_space<vmem_shared>>) offsets(%dma_start3A_135 : memref<80xi32, #tpu.memory_space<vmem>>) semaphore(%run_scoped3A : memref<!tpu.dma_semaphore, #tpu.memory_space<semaphore_mem>>) {add = true}
        %dma_wait3A_139 = tpu.memref_slice %arg7[%mul3A_85] : memref<10000xi32, #tpu.memory_space<vmem>> -> memref<80xi32, #tpu.memory_space<vmem>>
        %dma_wait3A_140 = arith.constant 0 : i32
        %dma_wait3A_141 = arith.constant 0 : i32
        %dma_wait3A_142 = tpu.memref_slice %arg11[%dma_wait3A_140, %dma_wait3A_141] : memref<10000x128xf32, #tpu.memory_space<vmem_shared>> -> memref<10000x128xf32, #tpu.memory_space<vmem_shared>>
        tpu.wait_indirect_dma semaphore(%run_scoped3A : memref<!tpu.dma_semaphore, #tpu.memory_space<semaphore_mem>>) src(%arg8 : memref<80x128xf32, #tpu.memory_space<vmem>>) dst(%dma_wait3A_142 : memref<10000x128xf32, #tpu.memory_space<vmem_shared>>)
        tpu.yield
      }) : () -> ()
      %add3A_86 = arith.constant 0 : i32
      %add3A_87 = arith.addi %mul3A_73, %add3A_86 : i32
      %add3A_88 = arith.constant 3 : i32
      %add3A_89 = arith.addi %add3A_87, %add3A_88 : i32
      %lt3A = arith.constant 125 : i32
      %lt3A_90 = arith.cmpi slt, %add3A_89, %lt3A : i32
      %convert_element_type3A = arith.extui %lt3A_90 : i1 to i32
      %cond3A = arith.constant 0 : i32
      %cond3A_91 = arith.cmpi ne, %convert_element_type3A, %cond3A : i32
      scf.if %cond3A_91 {
        %add3A_135 = arith.constant 0 : i32
        %add3A_136 = arith.addi %mul3A_73, %add3A_135 : i32
        %add3A_137 = arith.constant 3 : i32
        %add3A_138 = arith.addi %add3A_136, %add3A_137 : i32
        %mul3A_139 = arith.constant 80 : i32
        %mul3A_140 = arith.muli %add3A_138, %mul3A_139 : i32
        %dma_start3A_141 = tpu.memref_slice %arg6[%mul3A_140] : memref<10000xi32, #tpu.memory_space<vmem>> -> memref<80xi32, #tpu.memory_space<vmem>>
        %dma_start3A_142 = arith.constant 0 : i32
        %dma_start3A_143 = arith.constant 0 : i32
        %dma_start3A_144 = tpu.memref_slice %arg2[%dma_start3A_142, %dma_start3A_143] : memref<10000x128xf32, #tpu.memory_space<hbm>> -> memref<10000x128xf32, #tpu.memory_space<hbm>>
        tpu.enqueue_indirect_dma source(%dma_start3A_144 : memref<10000x128xf32, #tpu.memory_space<hbm>>) target(%arg8 : memref<80x128xf32, #tpu.memory_space<vmem>>) offsets(%dma_start3A_141 : memref<80xi32, #tpu.memory_space<vmem>>) semaphore(%arg12 : memref<!tpu.dma_semaphore, #tpu.memory_space<semaphore_mem>>)
      } else {
      }
      %add3A_92 = arith.constant 1 : i32
      %add3A_93 = arith.addi %mul3A_73, %add3A_92 : i32
      %mul3A_94 = arith.constant 80 : i32
      %mul3A_95 = arith.muli %add3A_93, %mul3A_94 : i32
      %dma_wait3A_96 = tpu.memref_slice %arg6[%mul3A_95] : memref<10000xi32, #tpu.memory_space<vmem>> -> memref<80xi32, #tpu.memory_space<vmem>>
      %dma_wait3A_97 = arith.constant 0 : i32
      %dma_wait3A_98 = arith.constant 0 : i32
      %dma_wait3A_99 = tpu.memref_slice %arg2[%dma_wait3A_97, %dma_wait3A_98] : memref<10000x128xf32, #tpu.memory_space<hbm>> -> memref<10000x128xf32, #tpu.memory_space<hbm>>
      tpu.wait_indirect_dma semaphore(%arg13 : memref<!tpu.dma_semaphore, #tpu.memory_space<semaphore_mem>>) src(%dma_wait3A_99 : memref<10000x128xf32, #tpu.memory_space<hbm>>) dst(%arg9 : memref<80x128xf32, #tpu.memory_space<vmem>>)
      %add3A_100 = arith.constant 1 : i32
      %add3A_101 = arith.addi %mul3A_73, %add3A_100 : i32
      %mul3A_102 = arith.constant 80 : i32
      %mul3A_103 = arith.muli %add3A_101, %mul3A_102 : i32
      "tpu.region"() ({
        %run_scoped3A = tpu.sem_alloc : memref<!tpu.dma_semaphore, #tpu.memory_space<semaphore_mem>>
        %dma_start3A_135 = tpu.memref_slice %arg7[%mul3A_103] : memref<10000xi32, #tpu.memory_space<vmem>> -> memref<80xi32, #tpu.memory_space<vmem>>
        %dma_start3A_136 = arith.constant 0 : i32
        %dma_start3A_137 = arith.constant 0 : i32
        %dma_start3A_138 = tpu.memref_slice %arg11[%dma_start3A_136, %dma_start3A_137] : memref<10000x128xf32, #tpu.memory_space<vmem_shared>> -> memref<10000x128xf32, #tpu.memory_space<vmem_shared>>
        tpu.enqueue_indirect_dma source(%arg9 : memref<80x128xf32, #tpu.memory_space<vmem>>) target(%dma_start3A_138 : memref<10000x128xf32, #tpu.memory_space<vmem_shared>>) offsets(%dma_start3A_135 : memref<80xi32, #tpu.memory_space<vmem>>) semaphore(%run_scoped3A : memref<!tpu.dma_semaphore, #tpu.memory_space<semaphore_mem>>) {add = true}
        %dma_wait3A_139 = tpu.memref_slice %arg7[%mul3A_103] : memref<10000xi32, #tpu.memory_space<vmem>> -> memref<80xi32, #tpu.memory_space<vmem>>
        %dma_wait3A_140 = arith.constant 0 : i32
        %dma_wait3A_141 = arith.constant 0 : i32
        %dma_wait3A_142 = tpu.memref_slice %arg11[%dma_wait3A_140, %dma_wait3A_141] : memref<10000x128xf32, #tpu.memory_space<vmem_shared>> -> memref<10000x128xf32, #tpu.memory_space<vmem_shared>>
        tpu.wait_indirect_dma semaphore(%run_scoped3A : memref<!tpu.dma_semaphore, #tpu.memory_space<semaphore_mem>>) src(%arg9 : memref<80x128xf32, #tpu.memory_space<vmem>>) dst(%dma_wait3A_142 : memref<10000x128xf32, #tpu.memory_space<vmem_shared>>)
        tpu.yield
      }) : () -> ()
      %add3A_104 = arith.constant 1 : i32
      %add3A_105 = arith.addi %mul3A_73, %add3A_104 : i32
      %add3A_106 = arith.constant 3 : i32
      %add3A_107 = arith.addi %add3A_105, %add3A_106 : i32
      %lt3A_108 = arith.constant 125 : i32
      %lt3A_109 = arith.cmpi slt, %add3A_107, %lt3A_108 : i32
      %convert_element_type3A_110 = arith.extui %lt3A_109 : i1 to i32
      %cond3A_111 = arith.constant 0 : i32
      %cond3A_112 = arith.cmpi ne, %convert_element_type3A_110, %cond3A_111 : i32
      scf.if %cond3A_112 {
        %add3A_135 = arith.constant 1 : i32
        %add3A_136 = arith.addi %mul3A_73, %add3A_135 : i32
        %add3A_137 = arith.constant 3 : i32
        %add3A_138 = arith.addi %add3A_136, %add3A_137 : i32
        %mul3A_139 = arith.constant 80 : i32
        %mul3A_140 = arith.muli %add3A_138, %mul3A_139 : i32
        %dma_start3A_141 = tpu.memref_slice %arg6[%mul3A_140] : memref<10000xi32, #tpu.memory_space<vmem>> -> memref<80xi32, #tpu.memory_space<vmem>>
        %dma_start3A_142 = arith.constant 0 : i32
        %dma_start3A_143 = arith.constant 0 : i32
        %dma_start3A_144 = tpu.memref_slice %arg2[%dma_start3A_142, %dma_start3A_143] : memref<10000x128xf32, #tpu.memory_space<hbm>> -> memref<10000x128xf32, #tpu.memory_space<hbm>>
        tpu.enqueue_indirect_dma source(%dma_start3A_144 : memref<10000x128xf32, #tpu.memory_space<hbm>>) target(%arg9 : memref<80x128xf32, #tpu.memory_space<vmem>>) offsets(%dma_start3A_141 : memref<80xi32, #tpu.memory_space<vmem>>) semaphore(%arg13 : memref<!tpu.dma_semaphore, #tpu.memory_space<semaphore_mem>>)
      } else {
      }
      %add3A_113 = arith.constant 2 : i32
      %add3A_114 = arith.addi %mul3A_73, %add3A_113 : i32
      %mul3A_115 = arith.constant 80 : i32
      %mul3A_116 = arith.muli %add3A_114, %mul3A_115 : i32
      %dma_wait3A_117 = tpu.memref_slice %arg6[%mul3A_116] : memref<10000xi32, #tpu.memory_space<vmem>> -> memref<80xi32, #tpu.memory_space<vmem>>
      %dma_wait3A_118 = arith.constant 0 : i32
      %dma_wait3A_119 = arith.constant 0 : i32
      %dma_wait3A_120 = tpu.memref_slice %arg2[%dma_wait3A_118, %dma_wait3A_119] : memref<10000x128xf32, #tpu.memory_space<hbm>> -> memref<10000x128xf32, #tpu.memory_space<hbm>>
      tpu.wait_indirect_dma semaphore(%arg14 : memref<!tpu.dma_semaphore, #tpu.memory_space<semaphore_mem>>) src(%dma_wait3A_120 : memref<10000x128xf32, #tpu.memory_space<hbm>>) dst(%arg10 : memref<80x128xf32, #tpu.memory_space<vmem>>)
      %add3A_121 = arith.constant 2 : i32
      %add3A_122 = arith.addi %mul3A_73, %add3A_121 : i32
      %mul3A_123 = arith.constant 80 : i32
      %mul3A_124 = arith.muli %add3A_122, %mul3A_123 : i32
      "tpu.region"() ({
        %run_scoped3A = tpu.sem_alloc : memref<!tpu.dma_semaphore, #tpu.memory_space<semaphore_mem>>
        %dma_start3A_135 = tpu.memref_slice %arg7[%mul3A_124] : memref<10000xi32, #tpu.memory_space<vmem>> -> memref<80xi32, #tpu.memory_space<vmem>>
        %dma_start3A_136 = arith.constant 0 : i32
        %dma_start3A_137 = arith.constant 0 : i32
        %dma_start3A_138 = tpu.memref_slice %arg11[%dma_start3A_136, %dma_start3A_137] : memref<10000x128xf32, #tpu.memory_space<vmem_shared>> -> memref<10000x128xf32, #tpu.memory_space<vmem_shared>>
        tpu.enqueue_indirect_dma source(%arg10 : memref<80x128xf32, #tpu.memory_space<vmem>>) target(%dma_start3A_138 : memref<10000x128xf32, #tpu.memory_space<vmem_shared>>) offsets(%dma_start3A_135 : memref<80xi32, #tpu.memory_space<vmem>>) semaphore(%run_scoped3A : memref<!tpu.dma_semaphore, #tpu.memory_space<semaphore_mem>>) {add = true}
        %dma_wait3A_139 = tpu.memref_slice %arg7[%mul3A_124] : memref<10000xi32, #tpu.memory_space<vmem>> -> memref<80xi32, #tpu.memory_space<vmem>>
        %dma_wait3A_140 = arith.constant 0 : i32
        %dma_wait3A_141 = arith.constant 0 : i32
        %dma_wait3A_142 = tpu.memref_slice %arg11[%dma_wait3A_140, %dma_wait3A_141] : memref<10000x128xf32, #tpu.memory_space<vmem_shared>> -> memref<10000x128xf32, #tpu.memory_space<vmem_shared>>
        tpu.wait_indirect_dma semaphore(%run_scoped3A : memref<!tpu.dma_semaphore, #tpu.memory_space<semaphore_mem>>) src(%arg10 : memref<80x128xf32, #tpu.memory_space<vmem>>) dst(%dma_wait3A_142 : memref<10000x128xf32, #tpu.memory_space<vmem_shared>>)
        tpu.yield
      }) : () -> ()
      %add3A_125 = arith.constant 2 : i32
      %add3A_126 = arith.addi %mul3A_73, %add3A_125 : i32
      %add3A_127 = arith.constant 3 : i32
      %add3A_128 = arith.addi %add3A_126, %add3A_127 : i32
      %lt3A_129 = arith.constant 125 : i32
      %lt3A_130 = arith.cmpi slt, %add3A_128, %lt3A_129 : i32
      %convert_element_type3A_131 = arith.extui %lt3A_130 : i1 to i32
      %cond3A_132 = arith.constant 0 : i32
      %cond3A_133 = arith.cmpi ne, %convert_element_type3A_131, %cond3A_132 : i32
      scf.if %cond3A_133 {
        %add3A_135 = arith.constant 2 : i32
        %add3A_136 = arith.addi %mul3A_73, %add3A_135 : i32
        %add3A_137 = arith.constant 3 : i32
        %add3A_138 = arith.addi %add3A_136, %add3A_137 : i32
        %mul3A_139 = arith.constant 80 : i32
        %mul3A_140 = arith.muli %add3A_138, %mul3A_139 : i32
        %dma_start3A_141 = tpu.memref_slice %arg6[%mul3A_140] : memref<10000xi32, #tpu.memory_space<vmem>> -> memref<80xi32, #tpu.memory_space<vmem>>
        %dma_start3A_142 = arith.constant 0 : i32
        %dma_start3A_143 = arith.constant 0 : i32
        %dma_start3A_144 = tpu.memref_slice %arg2[%dma_start3A_142, %dma_start3A_143] : memref<10000x128xf32, #tpu.memory_space<hbm>> -> memref<10000x128xf32, #tpu.memory_space<hbm>>
        tpu.enqueue_indirect_dma source(%dma_start3A_144 : memref<10000x128xf32, #tpu.memory_space<hbm>>) target(%arg10 : memref<80x128xf32, #tpu.memory_space<vmem>>) offsets(%dma_start3A_141 : memref<80xi32, #tpu.memory_space<vmem>>) semaphore(%arg14 : memref<!tpu.dma_semaphore, #tpu.memory_space<semaphore_mem>>)
      } else {
      }
      %scan3A_134 = arith.constant 0 : i32
      scf.yield %scan3A_134 : i32
    }
    %scan3A_45 = arith.constant 41 : i32
    %dma_wait3A = arith.constant 9840 : i32
    %dma_wait3A_46 = tpu.memref_slice %arg6[%dma_wait3A] : memref<10000xi32, #tpu.memory_space<vmem>> -> memref<80xi32, #tpu.memory_space<vmem>>
    %dma_wait3A_47 = arith.constant 0 : i32
    %dma_wait3A_48 = arith.constant 0 : i32
    %dma_wait3A_49 = tpu.memref_slice %arg2[%dma_wait3A_47, %dma_wait3A_48] : memref<10000x128xf32, #tpu.memory_space<hbm>> -> memref<10000x128xf32, #tpu.memory_space<hbm>>
    tpu.wait_indirect_dma semaphore(%arg12 : memref<!tpu.dma_semaphore, #tpu.memory_space<semaphore_mem>>) src(%dma_wait3A_49 : memref<10000x128xf32, #tpu.memory_space<hbm>>) dst(%arg8 : memref<80x128xf32, #tpu.memory_space<vmem>>)
    "tpu.region"() ({
      %run_scoped3A = tpu.sem_alloc : memref<!tpu.dma_semaphore, #tpu.memory_space<semaphore_mem>>
      %dma_start3A_70 = arith.constant 9840 : i32
      %dma_start3A_71 = tpu.memref_slice %arg7[%dma_start3A_70] : memref<10000xi32, #tpu.memory_space<vmem>> -> memref<80xi32, #tpu.memory_space<vmem>>
      %dma_start3A_72 = arith.constant 0 : i32
      %dma_start3A_73 = arith.constant 0 : i32
      %dma_start3A_74 = tpu.memref_slice %arg11[%dma_start3A_72, %dma_start3A_73] : memref<10000x128xf32, #tpu.memory_space<vmem_shared>> -> memref<10000x128xf32, #tpu.memory_space<vmem_shared>>
      tpu.enqueue_indirect_dma source(%arg8 : memref<80x128xf32, #tpu.memory_space<vmem>>) target(%dma_start3A_74 : memref<10000x128xf32, #tpu.memory_space<vmem_shared>>) offsets(%dma_start3A_71 : memref<80xi32, #tpu.memory_space<vmem>>) semaphore(%run_scoped3A : memref<!tpu.dma_semaphore, #tpu.memory_space<semaphore_mem>>) {add = true}
      %dma_wait3A_75 = arith.constant 9840 : i32
      %dma_wait3A_76 = tpu.memref_slice %arg7[%dma_wait3A_75] : memref<10000xi32, #tpu.memory_space<vmem>> -> memref<80xi32, #tpu.memory_space<vmem>>
      %dma_wait3A_77 = arith.constant 0 : i32
      %dma_wait3A_78 = arith.constant 0 : i32
      %dma_wait3A_79 = tpu.memref_slice %arg11[%dma_wait3A_77, %dma_wait3A_78] : memref<10000x128xf32, #tpu.memory_space<vmem_shared>> -> memref<10000x128xf32, #tpu.memory_space<vmem_shared>>
      tpu.wait_indirect_dma semaphore(%run_scoped3A : memref<!tpu.dma_semaphore, #tpu.memory_space<semaphore_mem>>) src(%arg8 : memref<80x128xf32, #tpu.memory_space<vmem>>) dst(%dma_wait3A_79 : memref<10000x128xf32, #tpu.memory_space<vmem_shared>>)
      tpu.yield
    }) : () -> ()
    %dma_wait3A_50 = arith.constant 9920 : i32
    %dma_wait3A_51 = tpu.memref_slice %arg6[%dma_wait3A_50] : memref<10000xi32, #tpu.memory_space<vmem>> -> memref<80xi32, #tpu.memory_space<vmem>>
    %dma_wait3A_52 = arith.constant 0 : i32
    %dma_wait3A_53 = arith.constant 0 : i32
    %dma_wait3A_54 = tpu.memref_slice %arg2[%dma_wait3A_52, %dma_wait3A_53] : memref<10000x128xf32, #tpu.memory_space<hbm>> -> memref<10000x128xf32, #tpu.memory_space<hbm>>
    tpu.wait_indirect_dma semaphore(%arg13 : memref<!tpu.dma_semaphore, #tpu.memory_space<semaphore_mem>>) src(%dma_wait3A_54 : memref<10000x128xf32, #tpu.memory_space<hbm>>) dst(%arg9 : memref<80x128xf32, #tpu.memory_space<vmem>>)
    "tpu.region"() ({
      %run_scoped3A = tpu.sem_alloc : memref<!tpu.dma_semaphore, #tpu.memory_space<semaphore_mem>>
      %dma_start3A_70 = arith.constant 9920 : i32
      %dma_start3A_71 = tpu.memref_slice %arg7[%dma_start3A_70] : memref<10000xi32, #tpu.memory_space<vmem>> -> memref<80xi32, #tpu.memory_space<vmem>>
      %dma_start3A_72 = arith.constant 0 : i32
      %dma_start3A_73 = arith.constant 0 : i32
      %dma_start3A_74 = tpu.memref_slice %arg11[%dma_start3A_72, %dma_start3A_73] : memref<10000x128xf32, #tpu.memory_space<vmem_shared>> -> memref<10000x128xf32, #tpu.memory_space<vmem_shared>>
      tpu.enqueue_indirect_dma source(%arg9 : memref<80x128xf32, #tpu.memory_space<vmem>>) target(%dma_start3A_74 : memref<10000x128xf32, #tpu.memory_space<vmem_shared>>) offsets(%dma_start3A_71 : memref<80xi32, #tpu.memory_space<vmem>>) semaphore(%run_scoped3A : memref<!tpu.dma_semaphore, #tpu.memory_space<semaphore_mem>>) {add = true}
      %dma_wait3A_75 = arith.constant 9920 : i32
      %dma_wait3A_76 = tpu.memref_slice %arg7[%dma_wait3A_75] : memref<10000xi32, #tpu.memory_space<vmem>> -> memref<80xi32, #tpu.memory_space<vmem>>
      %dma_wait3A_77 = arith.constant 0 : i32
      %dma_wait3A_78 = arith.constant 0 : i32
      %dma_wait3A_79 = tpu.memref_slice %arg11[%dma_wait3A_77, %dma_wait3A_78] : memref<10000x128xf32, #tpu.memory_space<vmem_shared>> -> memref<10000x128xf32, #tpu.memory_space<vmem_shared>>
      tpu.wait_indirect_dma semaphore(%run_scoped3A : memref<!tpu.dma_semaphore, #tpu.memory_space<semaphore_mem>>) src(%arg9 : memref<80x128xf32, #tpu.memory_space<vmem>>) dst(%dma_wait3A_79 : memref<10000x128xf32, #tpu.memory_space<vmem_shared>>)
      tpu.yield
    }) : () -> ()
    %barrier3A_55 = arith.constant 0 : index
    tpu.barrier barrier_id(%barrier3A_55)
    %scan3A_56 = arith.constant 0 : i32
    %scan3A_57 = arith.constant 0 : i32
    %scan3A_58 = arith.constant 8 : i32
    %scan3A_59 = arith.addi %scan3A_57, %scan3A_58 : i32
    %scan3A_60 = arith.constant 1 : i32
    %scan3A_61 = scf.for %scan3A_70 = %scan3A_57 to %scan3A_59 step %scan3A_60 iter_args(%scan3A_71 = %scan3A_56) -> (i32)  : i32 {
      %mul3A_72 = arith.constant 16 : i32
      %mul3A_73 = arith.muli %scan3A_70, %mul3A_72 : i32
      %add3A_74 = arith.addi %arg1, %mul3A_73 : i32
      %lt3A = arith.constant 125 : i32
      %lt3A_75 = arith.cmpi slt, %add3A_74, %lt3A : i32
      %convert_element_type3A = arith.extui %lt3A_75 : i1 to i32
      %cond3A = arith.constant 0 : i32
      %cond3A_76 = arith.cmpi ne, %convert_element_type3A, %cond3A : i32
      scf.if %cond3A_76 {
        %mul3A_78 = arith.constant 80 : i32
        %mul3A_79 = arith.muli %add3A_74, %mul3A_78 : i32
        %dma_start3A_80 = arith.constant 0 : i32
        %dma_start3A_81 = tpu.memref_slice %arg5[%arg0, %mul3A_79, %dma_start3A_80] : memref<2x10000x128xf32, #tpu.memory_space<hbm>> -> memref<1x80x128xf32, #tpu.memory_space<hbm>>
        %dma_start3A_82 = tpu.memref_squeeze %dma_start3A_81 : memref<1x80x128xf32, #tpu.memory_space<hbm>> -> memref<80x128xf32, #tpu.memory_space<hbm>>
        %dma_start3A_83 = arith.constant 0 : i32
        %dma_start3A_84 = tpu.memref_slice %arg11[%mul3A_79, %dma_start3A_83] : memref<10000x128xf32, #tpu.memory_space<vmem_shared>> -> memref<80x128xf32, #tpu.memory_space<vmem_shared>>
        tpu.enqueue_dma source(%dma_start3A_84 : memref<80x128xf32, #tpu.memory_space<vmem_shared>>) target(%dma_start3A_82 : memref<80x128xf32, #tpu.memory_space<hbm>>) target_semaphore(%arg15 : memref<!tpu.dma_semaphore, #tpu.memory_space<semaphore_mem>>)
      } else {
      }
      %scan3A_77 = arith.constant 0 : i32
      scf.yield %scan3A_77 : i32
    }
    %scan3A_62 = arith.constant 8 : i32
    %scan3A_63 = arith.constant 0 : i32
    %scan3A_64 = arith.constant 0 : i32
    %scan3A_65 = arith.constant 8 : i32
    %scan3A_66 = arith.addi %scan3A_64, %scan3A_65 : i32
    %scan3A_67 = arith.constant 1 : i32
    %scan3A_68 = scf.for %scan3A_70 = %scan3A_64 to %scan3A_66 step %scan3A_67 iter_args(%scan3A_71 = %scan3A_63) -> (i32)  : i32 {
      %mul3A_72 = arith.constant 16 : i32
      %mul3A_73 = arith.muli %scan3A_70, %mul3A_72 : i32
      %add3A_74 = arith.addi %arg1, %mul3A_73 : i32
      %lt3A = arith.constant 125 : i32
      %lt3A_75 = arith.cmpi slt, %add3A_74, %lt3A : i32
      %convert_element_type3A = arith.extui %lt3A_75 : i1 to i32
      %cond3A = arith.constant 0 : i32
      %cond3A_76 = arith.cmpi ne, %convert_element_type3A, %cond3A : i32
      scf.if %cond3A_76 {
        %mul3A_78 = arith.constant 80 : i32
        %mul3A_79 = arith.muli %add3A_74, %mul3A_78 : i32
        %dma_wait3A_80 = arith.constant 0 : i32
        %dma_wait3A_81 = tpu.memref_slice %arg5[%arg0, %mul3A_79, %dma_wait3A_80] : memref<2x10000x128xf32, #tpu.memory_space<hbm>> -> memref<1x80x128xf32, #tpu.memory_space<hbm>>
        %dma_wait3A_82 = tpu.memref_squeeze %dma_wait3A_81 : memref<1x80x128xf32, #tpu.memory_space<hbm>> -> memref<80x128xf32, #tpu.memory_space<hbm>>
        %dma_wait3A_83 = arith.constant 0 : i32
        %dma_wait3A_84 = tpu.memref_slice %arg11[%mul3A_79, %dma_wait3A_83] : memref<10000x128xf32, #tpu.memory_space<vmem_shared>> -> memref<80x128xf32, #tpu.memory_space<vmem_shared>>
        tpu.wait_dma2 semaphore(%arg15 : memref<!tpu.dma_semaphore, #tpu.memory_space<semaphore_mem>>) src(%dma_wait3A_84 : memref<80x128xf32, #tpu.memory_space<vmem_shared>>) dst(%dma_wait3A_82 : memref<80x128xf32, #tpu.memory_space<hbm>>)
      } else {
      }
      %scan3A_77 = arith.constant 0 : i32
      scf.yield %scan3A_77 : i32
    }
    %scan3A_69 = arith.constant 8 : i32
    return
  }
}

module attributes {stable_mosaic.version = 14 : i64} {
  func.func @_tc_update_body(%arg0: i32, %arg1: memref<2000x128xf32, #tpu.memory_space<vmem>>, %arg2: memref<2x2000x128xf32, #tpu.memory_space<vmem>>, %arg3: memref<128x128xf32, #tpu.memory_space<vmem>>, %arg4: memref<1x128xf32, #tpu.memory_space<vmem>>, %arg5: memref<2000x128xf32, #tpu.memory_space<vmem>>) attributes {dimension_semantics = [#tpu.dimension_semantics<arbitrary>], iteration_bounds = array<i64: 5>, scalar_prefetch = 0 : i64, scratch_operands = 0 : i64, tpu.core_type = #tpu.core_type<tc>, window_params = [{transform_indices = @transform_0, window_bounds = array<i64: 2000, 128>}, {transform_indices = @transform_1, window_bounds = array<i64: 2, 2000, 128>}, {pipeline_mode = #tpu.pipeline_mode<synchronous>, transform_indices = @transform_2, window_bounds = array<i64: 128, 128>}, {pipeline_mode = #tpu.pipeline_mode<synchronous>, transform_indices = @transform_3, window_bounds = array<i64: 1, 128>}, {transform_indices = @transform_4, window_bounds = array<i64: 2000, 128>}]} {
    %get3A = arith.constant 0 : index
    %get3A_0 = arith.constant 0 : index
    %get3A_1 = vector.load %arg1[%get3A, %get3A_0] : memref<2000x128xf32, #tpu.memory_space<vmem>>, vector<2000x128xf32>
    %get3A_2 = arith.constant 0 : index
    %get3A_3 = arith.constant 0 : index
    %get3A_4 = arith.constant 0 : index
    %get3A_5 = vector.load %arg2[%get3A_2, %get3A_3, %get3A_4] : memref<2x2000x128xf32, #tpu.memory_space<vmem>>, vector<1x2000x128xf32>
    %get3A_6 = vector.shape_cast %get3A_5 : vector<1x2000x128xf32> to vector<2000x128xf32>
    %add3A = arith.addf %get3A_1, %get3A_6 : vector<2000x128xf32>
    %get3A_7 = arith.constant 1 : index
    %get3A_8 = arith.constant 0 : index
    %get3A_9 = arith.constant 0 : index
    %get3A_10 = vector.load %arg2[%get3A_7, %get3A_8, %get3A_9] : memref<2x2000x128xf32, #tpu.memory_space<vmem>>, vector<1x2000x128xf32>
    %get3A_11 = vector.shape_cast %get3A_10 : vector<1x2000x128xf32> to vector<2000x128xf32>
    %add3A_12 = arith.addf %add3A, %get3A_11 : vector<2000x128xf32>
    %get3A_13 = arith.constant 0 : index
    %get3A_14 = arith.constant 0 : index
    %get3A_15 = vector.load %arg3[%get3A_13, %get3A_14] : memref<128x128xf32, #tpu.memory_space<vmem>>, vector<128x128xf32>
    %dot_general3A = arith.constant dense<0.000000e+00> : vector<2000x128xf32>
    %dot_general3A_16 = tpu.matmul %add3A_12, %get3A_15, %dot_general3A {dimension_numbers = #tpu.dot_dimension_numbers<[1], [0], [0], [1], [0, 0, 1, 1], [], []>, transpose_lhs_hint = false} : vector<2000x128xf32>, vector<128x128xf32>, vector<2000x128xf32> -> vector<2000x128xf32>
    %get3A_17 = arith.constant 0 : index
    %get3A_18 = arith.constant 0 : index
    %get3A_19 = vector.load %arg4[%get3A_17, %get3A_18] : memref<1x128xf32, #tpu.memory_space<vmem>>, vector<1x128xf32>
    %add3A_20 = vector.broadcast %get3A_19 : vector<1x128xf32> to vector<2000x128xf32>
    %add3A_21 = arith.addf %dot_general3A_16, %add3A_20 : vector<2000x128xf32>
    %max3A = arith.constant 0.000000e+00 : f32
    %max3A_22 = vector.broadcast %max3A : f32 to vector<2000x128xf32>
    %max3A_23 = arith.maximumf %add3A_21, %max3A_22 : vector<2000x128xf32>
    %swap3A = arith.constant 0 : index
    %swap3A_24 = arith.constant 0 : index
    %swap3A_25 = vector.load %arg5[%swap3A, %swap3A_24] : memref<2000x128xf32, #tpu.memory_space<vmem>>, vector<2000x128xf32>
    tpu.vector_store %arg5[%swap3A, %swap3A_24], %max3A_23 {strides = array<i32>} : memref<2000x128xf32, #tpu.memory_space<vmem>>, vector<2000x128xf32>,
    return
  }
  func.func @transform_0(%arg0: i32) -> (i32, i32) {
    %c0_i32 = arith.constant 0 : i32
    %c0_i32_0 = arith.constant 0 : i32
    return %arg0, %c0_i32 : i32, i32
  }
  func.func @transform_1(%arg0: i32) -> (i32, i32, i32) {
    %c0_i32 = arith.constant 0 : i32
    %c0_i32_0 = arith.constant 0 : i32
    %c0_i32_1 = arith.constant 0 : i32
    return %c0_i32, %arg0, %c0_i32_0 : i32, i32, i32
  }
  func.func @transform_2(%arg0: i32) -> (i32, i32) {
    %c0_i32 = arith.constant 0 : i32
    %c0_i32_0 = arith.constant 0 : i32
    %c0_i32_1 = arith.constant 0 : i32
    return %c0_i32, %c0_i32_0 : i32, i32
  }
  func.func @transform_3(%arg0: i32) -> (i32, i32) {
    %c0_i32 = arith.constant 0 : i32
    %c0_i32_0 = arith.constant 0 : i32
    %c0_i32_1 = arith.constant 0 : i32
    return %c0_i32, %c0_i32_0 : i32, i32
  }
  func.func @transform_4(%arg0: i32) -> (i32, i32) {
    %c0_i32 = arith.constant 0 : i32
    %c0_i32_0 = arith.constant 0 : i32
    return %arg0, %c0_i32 : i32, i32
  }
}

</mosaic_0001>

<sc_bundles>
// kernel: kernel.4.cloned.1.call-start
scs
__scs_entry_jumppad:
0x0: {  	(pc) =	sbr.rel $0x88, $3  }
0x1: {  	(tag) =	ssettag $0x0;
	lr =	simm.s32 $0x1  }
0x2: {  	[smem:$0x3F9D] =	sst lr;
	_ =	strace $0xD0000000  }
0x3: {  	_ = 	snop  }
0x4: {  	_ = 	snop  }
0x5: {  	_ = 	snop  }
0x6: {  	_ = 	snop  }
0x7: {  	_ = 	snop  }
__scs_overlays_trampoline_lowered:
0x8: {  	[smem:$0x3FAC] =	sst s0  }
0x9: {  	[smem:$0x3FAD] =	sst s1  }
0xa: {  	[smem:$0x3FAE] =	sst s2  }
0xb: {  	[smem:$0x3FAF] =	sst s3  }
0xc: {  	[smem:$0x3FB0] =	sst s4  }
0xd: {  	[smem:$0x3FB1] =	sst s5  }
0xe: {  	[smem:$0x3FB2] =	sst s6  }
0xf: {  	[smem:$0x3FB3] =	sst s7  }
0x10: {  	[smem:$0x3FB4] =	sst s8  }
0x11: {  	[smem:$0x3FB5] =	sst s9;
	s0 =	simm.s32 @!p0 $0x0  }
0x12: {  	s1 =	sld [smem:$0x3F9B];
	s0 =	simm.s32 @p0 $0x1  }
0x13: {  	[smem:$0x3FB6] =	sst s0;
	s0 =	simm.s32 @!p1 $0x0  }
0x14: {  	s2 =	sld [smem:$0x3F9A];
	s0 =	simm.s32 @p1 $0x1  }
0x15: {  	[smem:$0x3FB7] =	sst s0;
	s0 =	simm.s32 @!p2 $0x0  }
0x16: {  	s3 =	sld [smem:$0x3FDB];
	s0 =	simm.s32 @p2 $0x1  }
0x17: {  	s4 =	simm.s32 $0x1BF5;
	[smem:$0x3FB9] =	sst s0  }
0x18: {  	s0 =	sld [smem:$0x3F9C];
	_ =	swait.ge [sflag:s4], $0x0  }
0x19: {  	s7 =	sld [smem:$0x3F9D]  }
0x1a: {  	s8 =	sadd.s32 $0xFFFFE003, lr  }
0x1b: {  	s9 =	sadd.s32 $0xFFFFFEF7, lr;
	s5 =	simm.s32 $0xFFFFFFFF;
	p2 =	slt.u32 s8, $0xFFFFF086  }
0x1c: {  	p1 =	slt.u32 s9, $0xF7A;
	s5 =	simm.s32 @!p2 $0x0  }
0x1d: {  	s5 =	simm.s32 @p1 $0x1;
	p0 =	seq.s32 s7, s2  }
0x1e: {  	s7 =	smul.u32 @!p0 $0xF7A, s2;
	p2 =	seq.s32 @!p0 s5, $0x0  }
0x1f: {  	s9 =	smul.u32 $0xF7A, s1;
	s8 =	simm.s32 @!p0 $0x1BF5;
	p2 =	por !p2, p0  }
0x20: {  	[sflag:s8] =	ssyncset.s32 @!p0 $0xFFFFF086;
	s6 =	sadd.s32 @!p0 s3, s7;
	s7 =	simm.s32 @!p0 $0x108  }
0x21: {  	s3 =	sadd.s32 s3, s9;
	s6 =	sadd.s32 @!p0 $0x88, s6;
	s7 =	simm.s32 @p2 $0x1082  }
0x22: {  	[simem:s7], [sflag:s8] =	dma.local @!p0 [hbm:s6], $0xF7A  }
0x23: {  	s9 =	sor.u32 $0xD0000000, s2;
	s6 =	simm.s32 $0x108;
	_ =	swait.ge @!p0 [sflag:s8], $0x0  }
0x24: {  	s3 =	sadd.s32 $0x88, s3;
	s6 =	simm.s32 @!p1 $0x1082;
	[sflag:s4] =	ssyncset.s32 $0xFFFFF086  }
0x25: {  	[simem:s6], [sflag:s4] =	dma.local [hbm:s3], $0xF7A  }
0x26: {  	[smem:$0x3F9D] =	sst s1;
	(tag) =	ssettag s2;
	_ =	strace s9  }
0x27: {  	s1 =	sld [smem:$0x3FAD]  }
0x28: {  	s2 =	sld [smem:$0x3FAE]  }
0x29: {  	s4 =	sld [smem:$0x3FB0]  }
0x2a: {  	p0 =	seq.s32 s5, $0x0;
	s5 =	sld [smem:$0x3FB1]  }
0x2b: {  	s6 =	sld [smem:$0x3FB2]  }
0x2c: {  	s7 =	sld [smem:$0x3FB3]  }
0x2d: {  	s3 =	simm.s32 $0x108;
	s8 =	sld [smem:$0x3FB4]  }
0x2e: {  	s3 =	simm.s32 @!p0 $0x1082;
	s9 =	sld [smem:$0x3FB5]  }
0x2f: {  	lr =	sadd.s32 s0, s3;
	s0 =	sld [smem:$0x3FAC]  }
0x30: {  	s3 =	sld [smem:$0x3FAF]  }
0x31: {  	[smem:$0x3FB8] =	sst s10  }
0x32: {  	s10 =	sld [smem:$0x3FB6];
	_ =	sdelay $0x3  }
0x33: {  	p0 =	seq.s32 s10, $0x1;
	s10 =	sld [smem:$0x3FB8];
	_ =	sdelay $0x3  }
0x34: {  	[smem:$0x3FB8] =	sst s10  }
0x35: {  	s10 =	sld [smem:$0x3FB7];
	_ =	sdelay $0x3  }
0x36: {  	p1 =	seq.s32 s10, $0x1;
	s10 =	sld [smem:$0x3FB8];
	_ =	sdelay $0x3  }
0x37: {  	[smem:$0x3FB8] =	sst s10  }
0x38: {  	s10 =	sld [smem:$0x3FB9]  }
0x39: {  	_ = 	snop;
	(pc) =	sbr.ind lr, $3  }
0x3a: {  	_ = 	snop  }
0x3b: {  	_ = 	snop  }
0x3c: {  	p2 =	seq.s32 s10, $0x1;
	s10 =	sld [smem:$0x3FB8]  }
0x3d: {  	_ =	shalt  }
0x3e: {  	_ =	shalt  }
0x3f: {  	_ =	shalt  }
0x40: {  	_ =	shalt  }
0x41: {  	_ =	shalt  }
0x42: {  	_ =	shalt  }
0x43: {  	_ =	shalt  }
0x44: {  	_ =	shalt  }
0x45: {  	_ =	shalt  }
0x46: {  	_ =	shalt  }
0x47: {  	_ =	shalt  }
0x48: {  	_ =	shalt  }
0x49: {  	_ =	shalt  }
0x4a: {  	_ =	shalt  }
0x4b: {  	_ =	shalt  }
0x4c: {  	_ =	shalt  }
0x4d: {  	_ =	shalt  }
0x4e: {  	_ =	shalt  }
0x4f: {  	_ =	shalt  }
0x50: {  	_ =	shalt  }
0x51: {  	_ =	shalt  }
0x52: {  	_ =	shalt  }
0x53: {  	_ =	shalt  }
0x54: {  	_ =	shalt  }
0x55: {  	_ =	shalt  }
0x56: {  	_ =	shalt  }
0x57: {  	_ =	shalt  }
0x58: {  	_ =	shalt  }
0x59: {  	_ =	shalt  }
0x5a: {  	_ =	shalt  }
0x5b: {  	_ =	shalt  }
0x5c: {  	_ =	shalt  }
0x5d: {  	_ =	shalt  }
0x5e: {  	_ =	shalt  }
0x5f: {  	_ =	shalt  }
0x60: {  	_ =	shalt  }
0x61: {  	_ =	shalt  }
0x62: {  	_ =	shalt  }
0x63: {  	_ =	shalt  }
0x64: {  	_ =	shalt  }
0x65: {  	_ =	shalt  }
0x66: {  	_ =	shalt  }
0x67: {  	_ =	shalt  }
0x68: {  	_ =	shalt  }
0x69: {  	_ =	shalt  }
0x6a: {  	_ =	shalt  }
0x6b: {  	_ =	shalt  }
0x6c: {  	_ =	shalt  }
0x6d: {  	_ =	shalt  }
0x6e: {  	_ =	shalt  }
0x6f: {  	_ =	shalt  }
0x70: {  	_ =	shalt  }
0x71: {  	_ =	shalt  }
0x72: {  	_ =	shalt  }
0x73: {  	_ =	shalt  }
0x74: {  	_ =	shalt  }
0x75: {  	_ =	shalt  }
0x76: {  	_ =	shalt  }
0x77: {  	_ =	shalt  }
0x78: {  	_ =	shalt  }
0x79: {  	_ =	shalt  }
0x7a: {  	_ =	shalt  }
0x7b: {  	_ =	shalt  }
0x7c: {  	_ =	shalt  }
0x7d: {  	_ =	shalt  }
0x7e: {  	_ =	shalt  }
0x7f: {  	_ =	shalt  }
0x80: {  	_ =	shalt  }
0x81: {  	_ =	shalt  }
0x82: {  	_ =	shalt  }
0x83: {  	_ =	shalt  }
0x84: {  	_ =	shalt  }
0x85: {  	_ =	shalt  }
0x86: {  	_ =	shalt  }
0x87: {  	_ =	shalt  }
.Lfunc_end0:
.L_simem_size_0:
called_computation_lowered:
.L_overlay_start_0:
0x88: {  	s2 =	sld [smem:$0x3FD9]  }
0x89: {  	s3 =	sld [smem:$0x3FFE];
	_ =	sdelay $0x1  }
0x8a: {  	s1 =	srdreg.scid  }
0x8b: {  	s0 =	sand.u32 $0x1, s1  }
0x8c: {  	s17 =	sshll.u32 s0, $0xA;
	s2 =	sadd.s32 s3, s2  }
0x8d: {  	s2 =	sadd.s32 s2, s17  }
0x8e: {  	[smem:$0x3FC4] =	sst s2  }
0x8f: {  	_ = 	snop  }
0x90: {  	s2 =	sld [smem:$0x3FC9]  }
0x91: {  	s18 =	sld [smem:$0x3FD0];
	(tm) =	ssettm $0x1  }
0x92: {  	s4 =	sld [smem:$0x3FFB];
	_ =	sdelay $0x3  }
0x93: {  	_ =	strace s4  }
0x94: {  	s4 =	sld [smem:$0x3FFC];
	_ =	sdelay $0x3  }
0x95: {  	_ =	strace s4  }
0x96: {  	s4 =	sld [smem:$0x3FFD];
	_ =	sdelay $0x3  }
0x97: {  	_ =	strace s4  }
0x98: {  	_ =	strace $0x8FFFFFFF  }
0x99: {  	s19 =	sld [smem:$0x3FDB];
	_ =	sdelay $0x1  }
0x9a: {  	s5 =	simm.s32 $_scs_section_size  }
0x9b: {  	s6 =	simm.s32 $_size__tile_overlayer_lowered;
	s7 =	simm.s32 $_tile_overlayer_lowered  }
0x9c: {  	s22 =	simm.s32 $0x1BFF;
	s21 =	sshll.u32 s7, $0x1;
	s4 =	sadd.s32 s5, s19  }
0x9d: {  	s8 =	simm.s32 $0x0;
	s20 =	sshll.u32 s6, $0x1;
	s6 =	sadd.s32 s21, s4  }
0x9e: {  	[timem:s8], [sflag:s22] =	dma.local [hbm:s6], s20  }
0x9f: {  	_ =	swait.ge [sflag:s22], s20  }
0xa0: {  	s5 =	ssub.s32 $0x0, s20;
	[sflag:s22] =	ssyncset.done $0x0  }
0xa1: {  	[sflag:s22] =	ssyncadd.s32 s5;
	_ =	sdelay $0x1  }
0xa2: {  	s23 =	simm.s32 $0x1B8B  }
0xa3: {  	_ =	swait.ge [sflag:s23], $0x1  }
0xa4: {  	[sflag:s23] =	ssyncset.done $0x0  }
0xa5: {  	s25 =	simm.s32 $0x1B8E;
	s24 =	sld [smem:$0x3FFE];
	[sflag:s23] =	ssyncadd.s32 $0xFFFFFFFF  }
0xa6: {  	s26 =	simm.s32 $execute0_lowered;
	[smem:$0x3FD2] =	sst s25  }
0xa7: {  	s6 =	sshll.u32 s26, $0x1;
	_ =	strace $0x80000046;
	[dreg:$0x1] =	wrdreg $0xFFFFFFFF  }
0xa8: {  	s28 =	simm.s32 $_size_execute0_lowered;
	s4 =	sadd.s32 s4, s6;
	[dreg:$0x0] =	wrdreg $0x0  }
0xa9: {  	s6 =	sshll.u32 s28, $0x1;
	[dreg:$0x2] =	wrdreg s4  }
0xaa: {  	[dreg:$0x3] =	wrdreg s6  }
0xab: {  	[dreg:$0x4] =	wrdreg $0xC0  }
0xac: {  	_ =	task [dreg:s8], $0x5FFFF  }
0xad: {  	[dreg:$0x1] =	wrdreg $0xFFFFFFFF  }
0xae: {  	[dreg:$0x0] =	wrdreg $0x60  }
0xaf: {  	[dreg:$0x2] =	wrdreg s2  }
0xb0: {  	[dreg:$0x3] =	wrdreg s24  }
0xb1: {  	[dreg:$0x4] =	wrdreg s18  }
0xb2: {  	[dreg:$0x5] =	wrdreg $0xC7000  }
0xb3: {  	[dreg:$0x6] =	wrdreg $0x9  }
0xb4: {  	_ =	task.clear_ibuf [dreg:s8], $0x7FFFF;
	_ =	strace $0x90000046  }
0xb5: {  	s29 =	simm.s32 $0x9;
	_ =	strace $0x80000048  }
0xb6: {  	_ =	swait.ge [sflag:s29], $0x1  }
0xb7: {  	[sflag:s29] =	ssyncadd.s32 $0xFFFFFFFF  }
0xb8: {  	_ =	strace $0x90000048  }
0xb9: {  	_ =	sfence  }
0xba: {  	s30 =	sld [smem:$0x0];
	_ =	sdelay $0x2  }
0xbb: {  	s31 =	sshll.u32 s1, $0xD;
	s1 =	sshrl.u32 s1, $0x2  }
0xbc: {  	s3 =	sand.u32 $0x4000, s31;
	s1 =	sadd.s32 s1, s30  }
0xbd: {  	s0 =	sor.u32 s3, s0;
	s1 =	sshll.u32 s1, $0x11  }
0xbe: {  	s0 =	sor.u32 s1, s0  }
0xbf: {  	s0 =	sadd.s32 $0x8F2B, s0  }
0xc0: {  	[sflag:s0] =	ssyncadd.remote.s32 $0x1  }
0xc1: {  	_ =	sfence.sel $0xFFFF  }
0xc2: {  	[dreg:$0x0] =	wrdreg $0xFFFFFFFF;
	(pc) =	sbr.abs _section_cstart, $3  }
0xc3: {  	[dreg:$0x1] =	wrdreg $0xFFFFFFFF  }
0xc4: {  	_ =	task.clear_ibuf [dreg:s8], $0x2FFFF;
	_ =	strace $0x9FFFFFFF  }
0xc5: {  	(tm) =	ssettm $0x7FFFFFFF  }
tec
execute0_lowered:
.L_overlay_start_1:
0x0: {  	(tag) =	ssettag $0x1  }
0x1: {  	s0 =	rddreg [dreg:$0x0]  }
0x2: {  	s2 =	rddreg [dreg:$0x1]  }
0x3: {  	s1 =	srdreg.scid;
	s5 =	rddreg [dreg:$0x2]  }
0x4: {  	s26 =	stileid.u32;
	s3 =	rddreg [dreg:$0x3];
	s7 =	simm.s32 $0x0  }
0x5: {  	s28 =	simm.s32 $0x4;
	s29 =	simm.s32 $0x50;
	s8 =	smul.u32 $0xA000, s26  }
0x6: {  	s30 =	simm.s32 $0x7700;
	s4 =	sand.u32 $0x1, s1;
	s24 =	smul.u32 $0x2800, s26  }
0x7: {  	s31 =	simm.s32 $0x2;
	s9 =	sor.u32 $0x10, s26;
	s12 =	smul.u32 $0x138800, s4  }
0x8: {  	[smem:$0x7FF] =	sst s7;
	s11 =	sor.u32 $0x20, s26;
	s10 =	smul.u32 $0xA000, s9  }
0x9: {  	s13 =	sor.u32 $0x30, s26;
	s15 =	sor.u32 $0x40, s26;
	s21 =	smul.u32 $0xA000, s11  }
0xa: {  	s18 =	sor.u32 $0x50, s26;
	s19 =	sor.u32 $0x60, s26;
	s14 =	smul.u32 $0xA000, s13  }
0xb: {  	p1 =	sgt.u32 s26, $0xC;
	s1 =	sshll.u32 s4, $0x4;
	s17 =	smul.u32 $0xA000, s15  }
0xc: {  	_ =	strace $0x80000047;
	s4 =	ssub.s32 $0x2, s4;
	s22 =	smul.u32 $0xA000, s19  }
0xd: {  	s13 =	smul.u32 $0x2800, s13;
	s1 =	sor.u32 s26, s1;
	s16 =	sshrl.u32 s4, $0x1  }
0xe: {  	s23 =	sshrl.u32 s8, $0x2;
	s6 =	smul.u32 $0x4E2, s1;
	s1 =	sadd.s32 $0xA800, s2  }
0xf: {  	s4 =	ssub.s32 s4, s16;
	s16 =	smul.u32 $0xA000, s18;
	s8 =	sadd.s32 s23, s3  }
0x10: {  	s25 =	sshrl.u32 s10, $0x2;
	s14 =	sshrl.u32 s14, $0x2;
	s23 =	smul.u32 $0x2800, s19  }
0x11: {  	s4 =	smax.u32 s4, $0x1;
	s20 =	sadd.s32 s6, s2;
	s5 =	sadd.s32 s5, s6  }
0x12: {  	[dreg:$0x7] =	wrdreg s4;
	s2 =	sshrl.u32 s21, $0x2;
	s21 =	smul.u32 $0x2800, s15  }
0x13: {  	s15 =	sshrl.u32 s16, $0x2;
	s6 =	sadd.s32 s12, s24;
	s23 =	sadd.s32 s12, s23  }
0x14: {  	s7 =	sadd.s32 $0xA00, s20;
	[dreg:$0x6] =	wrdreg s5;
	s20 =	smul.u32 $0x2800, s9  }
0x15: {  	s9 =	sadd.s32 s25, s3;
	s10 =	sadd.s32 s2, s3;
	s2 =	sshrl.u32 s17, $0x2  }
0x16: {  	s5 =	sshrl.u32 s22, $0x2;
	s22 =	smul.u32 $0x2800, s18;
	s25 =	sor.u32 $0x70, s26  }
0x17: {  	s17 =	sshrl.u32 s6, $0x3;
	s23 =	sshrl.u32 s23, $0x3;
	s26 =	simm.s32 $0x4F00  }
0x18: {  	[dreg:$0x5] =	wrdreg s7;
	s7 =	smul.u32 $0x2800, s11;
	s11 =	sadd.s32 s14, s3  }
0x19: {  	s24 =	smul.u32 $0x2800, s25;
	s21 =	sadd.s32 s12, s21;
	s14 =	sadd.s32 s5, s3  }
0x1a: {  	p0 =	sgt.u32 s25, $0x7C;
	s18 =	sadd.s32 s12, s20;
	s20 =	sadd.s32 s12, s13  }
0x1b: {  	s22 =	sadd.s32 s12, s22;
	s13 =	sadd.s32 s15, s3;
	s21 =	sshrl.u32 s21, $0x3  }
0x1c: {  	s4 =	sadd.s32 s12, s7;
	s24 =	sadd.s32 s12, s24;
	s7 =	smul.u32 $0xA000, s25  }
0x1d: {  	s12 =	sadd.s32 s2, s3;
	s18 =	sshrl.u32 s18, $0x3;
	s20 =	sshrl.u32 s20, $0x3  }
0x1e: {  	s22 =	sshrl.u32 s22, $0x3;
	s2 =	simm.s32 $0x9F00;
	s25 =	simm.s32 $0x1  }
0x1f: {  	s19 =	sshrl.u32 s4, $0x3;
	s24 =	sshrl.u32 s24, $0x3;
	s16 =	sshrl.u32 s7, $0x2  }
0x20: {  	s4 =	simm.s32 $0x0;
	s15 =	sadd.s32 s16, s3;
	s16 =	sadd.s32 s1, s17  }
0x21: {  	s17 =	sadd.s32 s1, s18;
	s18 =	sadd.s32 s1, s19;
	s19 =	sadd.s32 s1, s20  }
0x22: {  	s20 =	sadd.s32 s1, s21;
	s21 =	sadd.s32 s1, s22;
	s22 =	sadd.s32 s1, s23  }
0x23: {  	v0 =	vimm.f32 $0.0e+00;
	s23 =	sadd.s32 s1, s24;
	s24 =	simm.s32 $0x5;
	s1 =	simm.s32 $0x3  }
.LBB2_1:
0x24: {  	s5 =	simm.s32 $0x0;
	s6 =	rddreg [dreg:$0x5]  }
0x25: {  	[tilespmem:s5], [sflag:$0x5] =	stream.linear.gather [hbm4b:s6+s5], $0x2710, $0x38;
	[tilespmem:$0x1FF80] =	vst v63  }
0x26: {  	_ =	swait.ge [sflag:s24], $0x2710  }
0x27: {  	[sflag:s24] =	ssyncset.done $0x0  }
0x28: {  	s7 =	simm.s32 $0x2780;
	s6 =	rddreg [dreg:$0x6];
	[sflag:s24] =	ssyncadd.s32 $0xFFFFD8F0  }
0x29: {  	[tilespmem:s7], [sflag:$0x5] =	stream.linear.gather [hbm4b:s6+s5], $0x2710, $0x38;
	[tilespmem:$0x1FF80] =	vst v63  }
0x2a: {  	_ =	swait.ge [sflag:s24], $0x2710  }
0x2b: {  	[sflag:s24] =	ssyncset.done $0x0  }
0x2c: {  	s5 =	simm.s32 $0x70;
	s6 =	simm.s32 $0x3C0;
	[sflag:s24] =	ssyncadd.s32 $0xFFFFD8F0  }
.LBB2_2:
0x2d: {  	p2 =	sne.s32 s6, $0x9FC0;
	[tilespmem:s5+$0x4F00] =	vst v0  }
0x2e: {  	[tilespmem:s5+$0x4E90] =	vst v0  }
0x2f: {  	[tilespmem:s5+$0x4EA0] =	vst v0  }
.Ltmp0:
0x30: {  	[tilespmem:s5+$0x4EB0] =	vst v0;
	(pc) =	sbr.rel @p2 .LBB2_2-.Ltmp0, $4  }
0x31: {  	[tilespmem:s5+$0x4EC0] =	vst v0  }
0x32: {  	[tilespmem:s5+$0x4ED0] =	vst v0  }
0x33: {  	[tilespmem:s5+$0x4EE0] =	vst v0  }
0x34: {  	[tilespmem:s5+$0x4EF0] =	vst v0;
	s5 =	sshra.s32 s6, $0x2;
	s6 =	sadd.s32 $0x200, s6  }
0x35: {  	[tilespmem:s5+$0x4F00] =	vst v0  }
0x36: {  	[tilespmem:s5+$0x4E90] =	vst v0  }
0x37: {  	[tilespmem:s5+$0x4EA0] =	vst v0  }
0x38: {  	[tilespmem:s5+$0x4EB0] =	vst v0  }
0x39: {  	[tilespmem:s5+$0x4EC0] =	vst v0  }
0x3a: {  	[tilespmem:s5+$0x4ED0] =	vst v0  }
0x3b: {  	[tilespmem:s5+$0x4EE0] =	vst v0  }
0x3c: {  	[tilespmem:s5+$0x4EF0] =	vst v0  }
0x3d: {  	[spmem:s8] =	stream.linear.scatter [tilespmem:s26], [sflag:$0x4], $0x2800, $0x38;
	[tilespmem:$0x1FF80] =	vst v63  }
0x3e: {  	_ = 	snop  }
0x3f: {  	[spmem:s9] =	stream.linear.scatter [tilespmem:s26], [sflag:$0x4], $0x2800, $0x38;
	[tilespmem:$0x1FF80] =	vst v63  }
0x40: {  	_ = 	snop  }
0x41: {  	[spmem:s10] =	stream.linear.scatter [tilespmem:s26], [sflag:$0x4], $0x2800, $0x38;
	[tilespmem:$0x1FF80] =	vst v63  }
0x42: {  	_ = 	snop  }
0x43: {  	[spmem:s11] =	stream.linear.scatter [tilespmem:s26], [sflag:$0x4], $0x2800, $0x38;
	[tilespmem:$0x1FF80] =	vst v63  }
0x44: {  	_ = 	snop  }
0x45: {  	[spmem:s12] =	stream.linear.scatter [tilespmem:s26], [sflag:$0x4], $0x2800, $0x38;
	[tilespmem:$0x1FF80] =	vst v63  }
0x46: {  	_ = 	snop  }
0x47: {  	[spmem:s13] =	stream.linear.scatter [tilespmem:s26], [sflag:$0x4], $0x2800, $0x38;
	[tilespmem:$0x1FF80] =	vst v63  }
0x48: {  	_ = 	snop  }
0x49: {  	[spmem:s14] =	stream.linear.scatter [tilespmem:s26], [sflag:$0x4], $0x2800, $0x38;
	[tilespmem:$0x1FF80] =	vst v63  }
0x4a: {  	s5 =	simm.s32 @!p0 $0x4F00  }
0x4b: {  	[spmem:s15] =	stream.linear.scatter @!p0 [tilespmem:s5], [sflag:$0x4], $0x2800, $0x38;
	[tilespmem:$0x1FF80] =	vst v63  }
0x4c: {  	_ =	swait.ge [sflag:s28], $0x2800  }
0x4d: {  	[sflag:s28] =	ssyncset.done $0x0  }
0x4e: {  	[sflag:s28] =	ssyncadd.s32 $0xFFFFD800  }
0x4f: {  	_ =	swait.ge [sflag:s28], $0x2800  }
0x50: {  	[sflag:s28] =	ssyncset.done $0x0  }
0x51: {  	[sflag:s28] =	ssyncadd.s32 $0xFFFFD800  }
0x52: {  	_ =	swait.ge [sflag:s28], $0x2800  }
0x53: {  	[sflag:s28] =	ssyncset.done $0x0  }
0x54: {  	[sflag:s28] =	ssyncadd.s32 $0xFFFFD800  }
0x55: {  	_ =	swait.ge [sflag:s28], $0x2800  }
0x56: {  	[sflag:s28] =	ssyncset.done $0x0  }
0x57: {  	[sflag:s28] =	ssyncadd.s32 $0xFFFFD800  }
0x58: {  	_ =	swait.ge [sflag:s28], $0x2800  }
0x59: {  	[sflag:s28] =	ssyncset.done $0x0  }
0x5a: {  	[sflag:s28] =	ssyncadd.s32 $0xFFFFD800  }
0x5b: {  	_ =	swait.ge [sflag:s28], $0x2800  }
0x5c: {  	[sflag:s28] =	ssyncset.done $0x0  }
0x5d: {  	[sflag:s28] =	ssyncadd.s32 $0xFFFFD800  }
0x5e: {  	_ =	swait.ge [sflag:s28], $0x2800  }
0x5f: {  	[sflag:s28] =	ssyncset.done $0x0  }
0x60: {  	s5 =	simm.s32 @!p1 $0x4;
	[sflag:s28] =	ssyncadd.s32 $0xFFFFD800  }
0x61: {  	_ =	swait.ge @!p1 [sflag:s5], $0x2800  }
0x62: {  	[sflag:s5] =	ssyncset.done @!p1 $0x0  }
0x63: {  	[sflag:s5] =	ssyncadd.s32 @!p1 $0xFFFFD800  }
0x64: {  	s7 =	simm.s32 $0x0;
	[bflag:$0x0] =	sbarrier.arrive $0xFFFF  }
0x65: {  	[tilespmem:s26], [sflag:$0x1] =	stream.indirect.gather [hbm4b:s0+s29], $0x80, s7, s29, $0xb8;
	[tilespmem:$0x1FF80] =	vst v63  }
0x66: {  	_ = 	snop  }
0x67: {  	[tilespmem:s30], [sflag:$0x2] =	stream.indirect.gather [hbm4b:s0+s29], $0x80, s29, s29, $0xb8;
	[tilespmem:$0x1FF80] =	vst v63  }
0x68: {  	s6 =	simm.s32 $0xA0  }
0x69: {  	[tilespmem:s2], [sflag:$0x3] =	stream.indirect.gather [hbm4b:s0+s29], $0x80, s6, s29, $0xb8;
	[tilespmem:$0x1FF80] =	vst v63  }
0x6a: {  	_ =	swait.ge [sflag:s25], $0x2800  }
0x6b: {  	[sflag:s25] =	ssyncset.done $0x0  }
0x6c: {  	s7 =	simm.s32 $0x2780;
	[sflag:s25] =	ssyncadd.s32 $0xFFFFD800  }
0x6d: {  	[spmem:s3] =	stream.indirect.scatter.add.f32 [tilespmem:s26], [sflag:$0x5], $0x80, s7, s29, $0xb8;
	[tilespmem:$0x1FF80] =	vst v63  }
0x6e: {  	_ =	swait.ge [sflag:s24], $0x2800  }
0x6f: {  	[sflag:s24] =	ssyncset.done $0x0  }
0x70: {  	s6 =	simm.s32 $0xF0;
	[sflag:s24] =	ssyncadd.s32 $0xFFFFD800  }
0x71: {  	[tilespmem:s26], [sflag:$0x1] =	stream.indirect.gather [hbm4b:s0+s29], $0x80, s6, s29, $0xb8;
	[tilespmem:$0x1FF80] =	vst v63  }
0x72: {  	_ =	swait.ge [sflag:s31], $0x2800  }
0x73: {  	[sflag:s31] =	ssyncset.done $0x0  }
0x74: {  	s7 =	simm.s32 $0x27D0;
	[sflag:s31] =	ssyncadd.s32 $0xFFFFD800  }
0x75: {  	[spmem:s3] =	stream.indirect.scatter.add.f32 [tilespmem:s30], [sflag:$0x5], $0x80, s7, s29, $0xb8;
	[tilespmem:$0x1FF80] =	vst v63  }
0x76: {  	_ =	swait.ge [sflag:s24], $0x2800  }
0x77: {  	[sflag:s24] =	ssyncset.done $0x0  }
0x78: {  	s6 =	simm.s32 $0x140;
	[sflag:s24] =	ssyncadd.s32 $0xFFFFD800  }
0x79: {  	[tilespmem:s30], [sflag:$0x2] =	stream.indirect.gather [hbm4b:s0+s29], $0x80, s6, s29, $0xb8;
	[tilespmem:$0x1FF80] =	vst v63  }
0x7a: {  	_ =	swait.ge [sflag:s1], $0x2800  }
0x7b: {  	[sflag:s1] =	ssyncset.done $0x0  }
0x7c: {  	s7 =	simm.s32 $0x2820;
	[sflag:s1] =	ssyncadd.s32 $0xFFFFD800  }
0x7d: {  	[spmem:s3] =	stream.indirect.scatter.add.f32 [tilespmem:s2], [sflag:$0x5], $0x80, s7, s29, $0xb8;
	[tilespmem:$0x1FF80] =	vst v63  }
0x7e: {  	_ =	swait.ge [sflag:s24], $0x2800  }
0x7f: {  	[sflag:s24] =	ssyncset.done $0x0  }
0x80: {  	s5 =	simm.s32 $0x3C0;
	s6 =	simm.s32 $0x190;
	[sflag:s24] =	ssyncadd.s32 $0xFFFFD800  }
.LBB2_4:
0x81: {  	[tilespmem:s2], [sflag:$0x3] =	stream.indirect.gather [hbm4b:s0+s29], $0x80, s6, s29, $0xb8;
	[tilespmem:$0x1FF80] =	vst v63  }
0x82: {  	s6 =	smov.u32 s5  }
0x83: {  	p2 =	sne.s32 s5, $0x9240;
	s5 =	sadd.s32 $0x3C0, s5;
	_ =	swait.ge [sflag:s25], $0x2800  }
0x84: {  	s6 =	sshra.s32 s6, $0x2;
	[sflag:s25] =	ssyncset.done $0x0  }
0x85: {  	s7 =	sadd.s32 $0x2780, s6;
	[sflag:s25] =	ssyncadd.s32 $0xFFFFD800  }
0x86: {  	[spmem:s3] =	stream.indirect.scatter.add.f32 [tilespmem:s26], [sflag:$0x5], $0x80, s7, s29, $0xb8;
	[tilespmem:$0x1FF80] =	vst v63  }
0x87: {  	_ =	swait.ge [sflag:s24], $0x2800  }
0x88: {  	[sflag:s24] =	ssyncset.done $0x0  }
0x89: {  	s7 =	sadd.s32 $0xF0, s6;
	[sflag:s24] =	ssyncadd.s32 $0xFFFFD800  }
0x8a: {  	[tilespmem:s26], [sflag:$0x1] =	stream.indirect.gather [hbm4b:s0+s29], $0x80, s7, s29, $0xb8;
	[tilespmem:$0x1FF80] =	vst v63  }
0x8b: {  	_ =	swait.ge [sflag:s31], $0x2800  }
0x8c: {  	[sflag:s31] =	ssyncset.done $0x0  }
0x8d: {  	s7 =	sadd.s32 $0x27D0, s6;
	[sflag:s31] =	ssyncadd.s32 $0xFFFFD800  }
0x8e: {  	[spmem:s3] =	stream.indirect.scatter.add.f32 [tilespmem:s30], [sflag:$0x5], $0x80, s7, s29, $0xb8;
	[tilespmem:$0x1FF80] =	vst v63  }
0x8f: {  	_ =	swait.ge [sflag:s24], $0x2800  }
0x90: {  	[sflag:s24] =	ssyncset.done $0x0  }
0x91: {  	s7 =	sadd.s32 $0x140, s6;
	[sflag:s24] =	ssyncadd.s32 $0xFFFFD800  }
0x92: {  	[tilespmem:s30], [sflag:$0x2] =	stream.indirect.gather [hbm4b:s0+s29], $0x80, s7, s29, $0xb8;
	[tilespmem:$0x1FF80] =	vst v63  }
0x93: {  	_ =	swait.ge [sflag:s1], $0x2800  }
0x94: {  	[sflag:s1] =	ssyncset.done $0x0  }
.Ltmp1:
0x95: {  	s7 =	sadd.s32 $0x2820, s6;
	[sflag:s1] =	ssyncadd.s32 $0xFFFFD800;
	(pc) =	sbr.rel @p2 .LBB2_4-.Ltmp1, $4  }
0x96: {  	[spmem:s3] =	stream.indirect.scatter.add.f32 [tilespmem:s2], [sflag:$0x5], $0x80, s7, s29, $0xb8;
	[tilespmem:$0x1FF80] =	vst v63  }
0x97: {  	_ =	swait.ge [sflag:s24], $0x2800  }
0x98: {  	[sflag:s24] =	ssyncset.done $0x0  }
0x99: {  	s6 =	sadd.s32 $0x190, s6;
	[sflag:s24] =	ssyncadd.s32 $0xFFFFD800  }
0x9a: {  	[tilespmem:s2], [sflag:$0x3] =	stream.indirect.gather [hbm4b:s0+s29], $0x80, s6, s29, $0xb8;
	[tilespmem:$0x1FF80] =	vst v63  }
0x9b: {  	_ =	swait.ge [sflag:s25], $0x2800  }
0x9c: {  	[sflag:s25] =	ssyncset.done $0x0  }
0x9d: {  	s5 =	simm.s32 $0x4D00;
	[sflag:s25] =	ssyncadd.s32 $0xFFFFD800  }
0x9e: {  	[spmem:s3] =	stream.indirect.scatter.add.f32 [tilespmem:s26], [sflag:$0x5], $0x80, s5, s29, $0xb8;
	[tilespmem:$0x1FF80] =	vst v63  }
0x9f: {  	_ =	swait.ge [sflag:s24], $0x2800  }
0xa0: {  	[sflag:s24] =	ssyncset.done $0x0  }
0xa1: {  	s6 =	simm.s32 $0x2670;
	[sflag:s24] =	ssyncadd.s32 $0xFFFFD800  }
0xa2: {  	[tilespmem:s26], [sflag:$0x1] =	stream.indirect.gather [hbm4b:s0+s29], $0x80, s6, s29, $0xb8;
	[tilespmem:$0x1FF80] =	vst v63  }
0xa3: {  	_ =	swait.ge [sflag:s31], $0x2800  }
0xa4: {  	[sflag:s31] =	ssyncset.done $0x0  }
0xa5: {  	s7 =	simm.s32 $0x4D50;
	[sflag:s31] =	ssyncadd.s32 $0xFFFFD800  }
0xa6: {  	[spmem:s3] =	stream.indirect.scatter.add.f32 [tilespmem:s30], [sflag:$0x5], $0x80, s7, s29, $0xb8;
	[tilespmem:$0x1FF80] =	vst v63  }
0xa7: {  	_ =	swait.ge [sflag:s24], $0x2800  }
0xa8: {  	[sflag:s24] =	ssyncset.done $0x0  }
0xa9: {  	s6 =	simm.s32 $0x26C0;
	[sflag:s24] =	ssyncadd.s32 $0xFFFFD800  }
0xaa: {  	[tilespmem:s30], [sflag:$0x2] =	stream.indirect.gather [hbm4b:s0+s29], $0x80, s6, s29, $0xb8;
	[tilespmem:$0x1FF80] =	vst v63  }
0xab: {  	_ =	swait.ge [sflag:s1], $0x2800  }
0xac: {  	[sflag:s1] =	ssyncset.done $0x0  }
0xad: {  	s7 =	simm.s32 $0x4DA0;
	[sflag:s1] =	ssyncadd.s32 $0xFFFFD800  }
0xae: {  	[spmem:s3] =	stream.indirect.scatter.add.f32 [tilespmem:s2], [sflag:$0x5], $0x80, s7, s29, $0xb8;
	[tilespmem:$0x1FF80] =	vst v63  }
0xaf: {  	_ =	swait.ge [sflag:s24], $0x2800  }
0xb0: {  	[sflag:s24] =	ssyncset.done $0x0  }
0xb1: {  	[sflag:s24] =	ssyncadd.s32 $0xFFFFD800  }
0xb2: {  	_ =	swait.ge [sflag:s25], $0x2800  }
0xb3: {  	[sflag:s25] =	ssyncset.done $0x0  }
0xb4: {  	s6 =	simm.s32 $0x4DF0;
	[sflag:s25] =	ssyncadd.s32 $0xFFFFD800  }
0xb5: {  	[spmem:s3] =	stream.indirect.scatter.add.f32 [tilespmem:s26], [sflag:$0x5], $0x80, s6, s29, $0xb8;
	[tilespmem:$0x1FF80] =	vst v63  }
0xb6: {  	_ =	swait.ge [sflag:s24], $0x2800  }
0xb7: {  	[sflag:s24] =	ssyncset.done $0x0  }
0xb8: {  	[sflag:s24] =	ssyncadd.s32 $0xFFFFD800  }
0xb9: {  	_ =	swait.ge [sflag:s31], $0x2800  }
0xba: {  	[sflag:s31] =	ssyncset.done $0x0  }
0xbb: {  	s7 =	simm.s32 $0x4E40;
	[sflag:s31] =	ssyncadd.s32 $0xFFFFD800  }
0xbc: {  	[spmem:s3] =	stream.indirect.scatter.add.f32 [tilespmem:s30], [sflag:$0x5], $0x80, s7, s29, $0xb8;
	[tilespmem:$0x1FF80] =	vst v63  }
0xbd: {  	_ =	swait.ge [sflag:s24], $0x2800  }
0xbe: {  	s6 =	stileid.u32;
	[sflag:s24] =	ssyncset.done $0x0  }
0xbf: {  	s5 =	sshll.u32 s6, $0x6;
	[sflag:s24] =	ssyncadd.s32 $0xFFFFD800  }
0xc0: {  	s5 =	sor.u32 $0x1C04, s5;
	s7 =	sshrl.u32 s8, $0x3;
	[bflag:$0x0] =	sbarrier.arrive $0xFFFF  }
0xc1: {  	[hbm:s16], [sflag:s5] =	dma.local [spmem:s7], $0x500  }
0xc2: {  	s7 =	sshrl.u32 s9, $0x3  }
0xc3: {  	[hbm:s17], [sflag:s5] =	dma.local [spmem:s7], $0x500  }
0xc4: {  	s7 =	sshrl.u32 s10, $0x3  }
0xc5: {  	[hbm:s18], [sflag:s5] =	dma.local [spmem:s7], $0x500  }
0xc6: {  	s7 =	sshrl.u32 s11, $0x3  }
0xc7: {  	[hbm:s19], [sflag:s5] =	dma.local [spmem:s7], $0x500  }
0xc8: {  	s7 =	sshrl.u32 s12, $0x3  }
0xc9: {  	[hbm:s20], [sflag:s5] =	dma.local [spmem:s7], $0x500  }
0xca: {  	s7 =	sshrl.u32 s13, $0x3  }
0xcb: {  	[hbm:s21], [sflag:s5] =	dma.local [spmem:s7], $0x500  }
0xcc: {  	s6 =	sshrl.u32 @!p0 s15, $0x3;
	s7 =	sshrl.u32 s14, $0x3  }
0xcd: {  	[hbm:s22], [sflag:s5] =	dma.local [spmem:s7], $0x500  }
0xce: {  	[hbm:s23], [sflag:s5] =	dma.local @!p0 [spmem:s6], $0x500  }
0xcf: {  	_ =	swait.ge [sflag:s28], $0x500  }
0xd0: {  	[sflag:s28] =	ssyncset.done $0x0  }
0xd1: {  	[sflag:s28] =	ssyncadd.s32 $0xFFFFFB00  }
0xd2: {  	_ =	swait.ge [sflag:s28], $0x500  }
0xd3: {  	[sflag:s28] =	ssyncset.done $0x0  }
0xd4: {  	[sflag:s28] =	ssyncadd.s32 $0xFFFFFB00  }
0xd5: {  	_ =	swait.ge [sflag:s28], $0x500  }
0xd6: {  	[sflag:s28] =	ssyncset.done $0x0  }
0xd7: {  	[sflag:s28] =	ssyncadd.s32 $0xFFFFFB00  }
0xd8: {  	_ =	swait.ge [sflag:s28], $0x500  }
0xd9: {  	[sflag:s28] =	ssyncset.done $0x0  }
0xda: {  	[sflag:s28] =	ssyncadd.s32 $0xFFFFFB00  }
0xdb: {  	_ =	swait.ge [sflag:s28], $0x500  }
0xdc: {  	[sflag:s28] =	ssyncset.done $0x0  }
0xdd: {  	[sflag:s28] =	ssyncadd.s32 $0xFFFFFB00  }
0xde: {  	_ =	swait.ge [sflag:s28], $0x500  }
0xdf: {  	[sflag:s28] =	ssyncset.done $0x0  }
0xe0: {  	[sflag:s28] =	ssyncadd.s32 $0xFFFFFB00  }
0xe1: {  	_ =	swait.ge [sflag:s28], $0x500  }
0xe2: {  	[sflag:s28] =	ssyncset.done $0x0  }
0xe3: {  	s5 =	simm.s32 @!p1 $0x4;
	[sflag:s28] =	ssyncadd.s32 $0xFFFFFB00  }
0xe4: {  	_ =	swait.ge @!p1 [sflag:s5], $0x500  }
0xe5: {  	s4 =	sadd.s32 $0x1, s4;
	s7 =	rddreg [dreg:$0x7]  }
0xe6: {  	p2 =	sne.s32 s4, s7  }
.Ltmp2:
0xe7: {  	_ = 	snop;
	(pc) =	sbr.rel @p2 .LBB2_1-.Ltmp2, $3  }
0xe8: {  	_ =	sdelay $0x1  }
0xe9: {  	[sflag:s5] =	ssyncset.done @!p1 $0x0  }
0xea: {  	[sflag:s5] =	ssyncadd.s32 @!p1 $0xFFFFFB00  }
0xeb: {  	_ =	sfence.sel $0x180000  }
0xec: {  	[bflag:$0x0] =	sbarrier.arrive $0xFFFF  }
0xed: {  	_ =	strace $0x90000047  }
0xee: {  	s0 =	stileid.u32;
	[bflag:$0x2] =	sbarrier.arrive $0xFFFF  }
0xef: {  	p0 =	sne.s32 s0, $0x0;
	s0 =	rddreg [dreg:$0x4]  }
0xf0: {  	s0 =	sadd.s32 @!p0 $0x100000, s0  }
0xf1: {  	[sflag:s0] =	ssyncadd.tile.s32 @!p0 $0x1;
	_ =	shalt  }
.Lfunc_end2:
_tile_overlayer_lowered:
.L_overlay_start_2:
0xf2: {  	(tag) =	ssettag $0x2  }
0xf3: {  	s0 =	rddreg [dreg:$0x0];
	s2 =	stileid.u32  }
0xf4: {  	s1 =	rddreg [dreg:$0x1];
	p0 =	sne.s32 s2, $0x0  }
0xf5: {  	s3 =	rddreg [dreg:$0x2];
	[bflag:$0x3] =	sbarrier.arrive $0xFFFF;
	s2 =	simm.s32 @!p0 $0x1C05  }
0xf6: {  	[timem:s3], [sflag:s2] =	dma.local @!p0 [hbm:s0], s1  }
0xf7: {  	s0 =	simm.s32 @!p0 $0x5  }
0xf8: {  	_ =	swait.ge @!p0 [sflag:s0], s1  }
0xf9: {  	s1 =	ssub.s32 @!p0 $0x0, s1;
	[sflag:s0] =	ssyncset.done @!p0 $0x0  }
0xfa: {  	[sflag:s0] =	ssyncadd.s32 @!p0 s1  }
0xfb: {  	[bflag:$0x3] =	sbarrier.arrive $0xFFFF  }
0xfc: {  	_ =	shalt  }

</sc_bundles>
